<compile_context>
chip_gen: v7x
topology: tpu7x:2x2x1
jax: 0.10.2.dev20260603
libtpu: 0.0.44.dev20260713+nightly
codegen_flags: <defaults>
</compile_context>

<pallas_src>
import jax
import jax.numpy as jnp
from jax import lax
from jax.experimental import pallas as pl
from jax.experimental.pallas import tpu as pltpu
from jax.experimental.pallas import tpu_sc as plsc

N = 10000
E = 160000
D = 256
H = 128
NC = 2
NS = 16
NT0 = 624
NTL = N - NT0 * (NS - 1)

KA = 128
NBA = 80
ETILE = KA * NBA
EPAD = ETILE * NS
NSLOT = 2
NACC = N + 8

KH = 128
ETH = EPAD // (NC * NS)
NBH = ETH // KH

_MESH = plsc.VectorSubcoreMesh(core_axis_name="c", subcore_axis_name="s")


def _per_tile_rows(s, do):
    @pl.when(s < NS - 1)
    def _():
        do(s * NT0, NT0)

    @pl.when(s == NS - 1)
    def _():
        do((NS - 1) * NT0, NTL)


def _hist_body(dst_hbm, zeros_hbm, ones_hbm, out_hbm, onesv, dstring, cnt_sh,
               *sems):
    dsem = sems[:NSLOT]
    ssem = sems[NSLOT:]
    c = lax.axis_index("c")
    s = lax.axis_index("s")
    _per_tile_rows(s, lambda r, n: pltpu.sync_copy(
        zeros_hbm.at[pl.ds(r, n)], cnt_sh.at[pl.ds(r, n)]))
    pltpu.sync_copy(ones_hbm, onesv)
    plsc.subcore_barrier()
    base0 = (s * NC + c) * ETH

    def start_d(b, i):
        pltpu.async_copy(dst_hbm.at[pl.ds(base0 + i * KH, KH)], dstring.at[b],
                         dsem[b])

    def wait_d(b, i):
        pltpu.make_async_copy(dst_hbm.at[pl.ds(base0 + i * KH, KH)],
                              dstring.at[b], dsem[b]).wait()

    def start_s(b):
        pltpu.async_copy(onesv, cnt_sh.at[dstring.at[b]], ssem[b], add=True)

    def wait_s(b):
        pltpu.make_async_copy(onesv, cnt_sh.at[dstring.at[b]], ssem[b]).wait()

    for b in range(NSLOT):
        start_d(b, b)

    def outer(g, carry):
        for b in range(NSLOT):
            i = g * NSLOT + b
            wait_d(b, i)
            start_s(b)
            wait_s(b)

            @pl.when(i + NSLOT < NBH)
            def _():
                start_d(b, i + NSLOT)
        return carry

    lax.fori_loop(0, NBH // NSLOT, outer, 0)
    plsc.subcore_barrier()
    _per_tile_rows(s, lambda r, n: pltpu.sync_copy(
        cnt_sh.at[pl.ds(r, n)], out_hbm.at[c, pl.ds(r, n)]))


def _sc_hist(dstp_flat, zeros, ones):
    return pl.kernel(
        _hist_body,
        out_type=jax.ShapeDtypeStruct((NC, N, 16), jnp.float32),
        mesh=_MESH,
        scratch_types=[
            pltpu.VMEM((KH, 16), jnp.float32),
            pltpu.VMEM((NSLOT, KH), jnp.int32),
            pltpu.VMEM_SHARED((NACC, 16), jnp.float32),
        ] + [pltpu.SemaphoreType.DMA] * (2 * NSLOT),
    )(dstp_flat, zeros, ones)


def _agg_body(hp_hbm, src2_hbm, dst_hbm, out_hbm, src_all, dstring, rows,
              acc_sh, *sems):
    gsem = sems[:NSLOT]
    ssem = sems[NSLOT:2 * NSLOT]
    dsem = sems[2 * NSLOT:]
    c = lax.axis_index("c")
    s = lax.axis_index("s")
    pltpu.sync_copy(src2_hbm.at[pl.ds(c * EPAD + s * ETILE, ETILE)], src_all)
    _per_tile_rows(s, lambda r, n: pltpu.sync_copy(
        hp_hbm.at[pl.ds(c * N + r, n)], acc_sh.at[pl.ds(r, n)]))
    plsc.subcore_barrier()
    ebase = s * ETILE

    def start_d(b, i):
        pltpu.async_copy(dst_hbm.at[pl.ds(ebase + i * KA, KA)], dstring.at[b],
                         dsem[b])

    def wait_d(b, i):
        pltpu.make_async_copy(dst_hbm.at[pl.ds(ebase + i * KA, KA)],
                              dstring.at[b], dsem[b]).wait()

    def start_g(b, i):
        pltpu.async_copy(hp_hbm.at[src_all.at[pl.ds(i * KA, KA)]], rows.at[b],
                         gsem[b])

    def wait_g(b, i):
        pltpu.make_async_copy(hp_hbm.at[src_all.at[pl.ds(i * KA, KA)]],
                              rows.at[b], gsem[b]).wait()

    def start_s(b, i):
        pltpu.async_copy(rows.at[b], acc_sh.at[dstring.at[b]], ssem[b],
                         add=True)

    def wait_s(b, i):
        pltpu.make_async_copy(rows.at[b], acc_sh.at[dstring.at[b]],
                              ssem[b]).wait()

    for b in range(NSLOT):
        start_d(b, b)
        start_g(b, b)

    def outer(g, carry):
        for b in range(NSLOT):
            i = g * NSLOT + b
            wait_d(b, i)
            wait_g(b, i)
            start_s(b, i)
            wait_s(b, i)

            @pl.when(i + NSLOT < NBA)
            def _():
                start_d(b, i + NSLOT)
                start_g(b, i + NSLOT)
        return carry

    lax.fori_loop(0, NBA // NSLOT, outer, 0)
    plsc.subcore_barrier()
    _per_tile_rows(s, lambda r, n: pltpu.sync_copy(
        acc_sh.at[pl.ds(r, n)], out_hbm.at[c, pl.ds(r, n)]))


def _sc_agg(hp_flat, src2, dst):
    return pl.kernel(
        _agg_body,
        out_type=jax.ShapeDtypeStruct((NC, N, H), jnp.float32),
        mesh=_MESH,
        scratch_types=[
            pltpu.VMEM((ETILE,), jnp.int32),
            pltpu.VMEM((NSLOT, KA), jnp.int32),
            pltpu.VMEM((NSLOT, KA, H), jnp.float32),
            pltpu.VMEM_SHARED((NACC, H), jnp.float32),
        ] + [pltpu.SemaphoreType.DMA] * (3 * NSLOT),
    )(hp_flat, src2, dst)


BN = 1000


def _preA_body(x_ref, w_ref, h_ref):
    h_ref[...] = jnp.dot(x_ref[...], w_ref[...],
                         preferred_element_type=jnp.float32)


def _tc_preA(x, W1):
    return pl.pallas_call(
        _preA_body,
        grid=(N // BN,),
        in_specs=[
            pl.BlockSpec((BN, D), lambda i: (i, 0)),
            pl.BlockSpec((D, D), lambda i: (0, 0)),
        ],
        out_specs=pl.BlockSpec((BN, D), lambda i: (i, 0)),
        out_shape=jax.ShapeDtypeStruct((N, D), jnp.float32),
    )(x, W1)


def _preB_body(h_ref, hist_ref, hp_ref, dinv_ref):
    deg = hist_ref[0, :, 0:1] + hist_ref[1, :, 0:1] + 1.0
    dinv = lax.rsqrt(deg)
    hp = h_ref[...] * dinv
    hp_ref[0] = hp[:, :H]
    hp_ref[1] = hp[:, H:]
    dinv_ref[...] = dinv


def _tc_preB(h, hist):
    return pl.pallas_call(
        _preB_body,
        grid=(N // BN,),
        in_specs=[
            pl.BlockSpec((BN, D), lambda i: (i, 0)),
            pl.BlockSpec((NC, BN, 16), lambda i: (0, i, 0)),
        ],
        out_specs=[
            pl.BlockSpec((NC, BN, H), lambda i: (0, i, 0)),
            pl.BlockSpec((BN, 1), lambda i: (i, 0)),
        ],
        out_shape=[
            jax.ShapeDtypeStruct((NC, N, H), jnp.float32),
            jax.ShapeDtypeStruct((N, 1), jnp.float32),
        ],
    )(h, hist)


def _mid_body(agg_ref, dinv_ref, b_ref, w_ref, hp_ref):
    a = jnp.concatenate([agg_ref[0], agg_ref[1]], axis=-1)
    x2 = jnp.maximum(a * dinv_ref[...] + b_ref[...], 0.0)
    h2 = jnp.dot(x2, w_ref[...], preferred_element_type=jnp.float32)
    hp = h2 * dinv_ref[...]
    hp_ref[0] = hp[:, :H]
    hp_ref[1] = hp[:, H:]


def _tc_mid(agg, dinv, b1, W2):
    return pl.pallas_call(
        _mid_body,
        grid=(N // BN,),
        in_specs=[
            pl.BlockSpec((NC, BN, H), lambda i: (0, i, 0)),
            pl.BlockSpec((BN, 1), lambda i: (i, 0)),
            pl.BlockSpec((1, D), lambda i: (0, 0)),
            pl.BlockSpec((D, D), lambda i: (0, 0)),
        ],
        out_specs=pl.BlockSpec((NC, BN, H), lambda i: (0, i, 0)),
        out_shape=jax.ShapeDtypeStruct((NC, N, H), jnp.float32),
    )(agg, dinv, b1, W2)


def _fin_body(agg_ref, dinv_ref, b_ref, wfc_ref, bfc_ref, o_ref, m_scr):
    i = pl.program_id(0)
    a = jnp.concatenate([agg_ref[0], agg_ref[1]], axis=-1)
    x3 = jnp.maximum(a * dinv_ref[...] + b_ref[...], 0.0)
    bm = jnp.max(x3, axis=0, keepdims=True)

    @pl.when(i == 0)
    def _():
        m_scr[...] = bm

    @pl.when(i > 0)
    def _():
        m_scr[...] = jnp.maximum(m_scr[...], bm)

    @pl.when(i == pl.num_programs(0) - 1)
    def _():
        o_ref[...] = (jnp.dot(m_scr[...], wfc_ref[...],
                              preferred_element_type=jnp.float32) + bfc_ref[...])


def _tc_fin(agg, dinv, b2, Wfc, bfc):
    return pl.pallas_call(
        _fin_body,
        grid=(N // BN,),
        in_specs=[
            pl.BlockSpec((NC, BN, H), lambda i: (0, i, 0)),
            pl.BlockSpec((BN, 1), lambda i: (i, 0)),
            pl.BlockSpec((1, D), lambda i: (0, 0)),
            pl.BlockSpec((D, D // 16), lambda i: (0, 0)),
            pl.BlockSpec((1, D // 16), lambda i: (0, 0)),
        ],
        out_specs=pl.BlockSpec((1, D // 16), lambda i: (0, 0)),
        out_shape=jax.ShapeDtypeStruct((1, D // 16), jnp.float32),
        scratch_shapes=[pltpu.VMEM((1, D), jnp.float32)],
    )(agg, dinv, b2, Wfc, bfc)


def kernel(x, edge_index, W1, b1, W2, b2, Wfc, bfc):
    src = edge_index[0].astype(jnp.int32)
    dst = edge_index[1].astype(jnp.int32)
    pad = EPAD - E
    srcp = jnp.concatenate([src, jnp.zeros((pad,), jnp.int32)])
    dstp = jnp.concatenate([dst, jnp.full((pad,), N, jnp.int32)])
    src2 = jnp.concatenate([srcp, srcp + N])
    zeros = jnp.zeros((N, 16), jnp.float32)
    ones = jnp.concatenate(
        [jnp.ones((KH, 1), jnp.float32), jnp.zeros((KH, 15), jnp.float32)], axis=1)

    h1 = _tc_preA(x, W1)
    hist = _sc_hist(dstp, zeros, ones)
    hp1, dinv = _tc_preB(h1, hist)
    agg1 = _sc_agg(hp1.reshape(NC * N, H), src2, dstp)
    hp2 = _tc_mid(agg1, dinv, b1.reshape(1, D), W2)
    agg2 = _sc_agg(hp2.reshape(NC * N, H), src2, dstp)
    return _tc_fin(agg2, dinv, b2.reshape(1, D), Wfc, bfc.reshape(1, 16))

# --- scband reference (transcript-rebuilt; emitter-appended) ---
"""Pipeline reference for scband-gcn-26525718020642 (READ-ONLY COPY).

The authoritative reference and input builder live on the scoring server;
editing this copy changes nothing except your own understanding.
"""

import jax, jax.numpy as jnp
import numpy as np

N = 10000
E = 160000
D_IN = 256
D_HID = 256
D_OUT = 16


def _xavier(key, fan_in, fan_out):
    limit = float(np.sqrt(6.0 / (fan_in + fan_out)))
    return jax.random.uniform(key, (fan_in, fan_out), dtype=jnp.float32, minval=-limit, maxval=limit)


def setup_inputs(seed: int = 0) -> dict:
    key = jax.random.key(seed)
    ks = jax.random.split(key, 6)
    x = jax.random.normal(ks[0], (N, D_IN), dtype=jnp.float32)
    edge_index = jax.random.randint(ks[1], (2, E), 0, N)
    W1 = _xavier(ks[2], D_IN, D_HID)
    b1 = jnp.zeros((D_HID,), dtype=jnp.float32)
    W2 = _xavier(ks[3], D_HID, D_HID)
    b2 = jnp.zeros((D_HID,), dtype=jnp.float32)
    Wfc = _xavier(ks[4], D_HID, D_OUT)
    bfc = jnp.zeros((D_OUT,), dtype=jnp.float32)
    return {"x": x, "edge_index": edge_index, "W1": W1, "b1": b1, "W2": W2, "b2": b2, "Wfc": Wfc, "bfc": bfc}


def _gcn_conv(x, edge_index, W, b):
    # GCNConv: add self-loops, symmetric degree normalization, then aggregate.
    n = x.shape[0]
    loop = jnp.arange(n, dtype=edge_index.dtype)
    src = jnp.concatenate([edge_index[0], loop])
    dst = jnp.concatenate([edge_index[1], loop])
    deg = jnp.zeros((n,), dtype=jnp.float32).at[dst].add(1.0)
    dinv = jnp.where(deg > 0, jax.lax.rsqrt(deg), 0.0)
    norm = dinv[src] * dinv[dst]
    h = x @ W
    msg = h[src] * norm[:, None]
    out = jnp.zeros((n, W.shape[1]), dtype=jnp.float32).at[dst].add(msg)
    return out + b


def reference(x, edge_index, W1, b1, W2, b2, Wfc, bfc):
    h = _gcn_conv(x, edge_index, W1, b1)
    h = jax.nn.relu(h)
    # dropout is identity in eval mode
    h = _gcn_conv(h, edge_index, W2, b2)
    h = jax.nn.relu(h)
    # batch is None -> global max pool over all nodes
    g = jnp.max(h, axis=0, keepdims=True)
    return g @ Wfc + bfc

if __name__ == "__main__":
    import jax
    _d = setup_inputs()
    print(jax.jit(kernel)(*tuple(_d.values())))

</pallas_src>

<mosaic_0001>
#map = affine_map<(d0, d1) -> (0)>
#map1 = affine_map<(d0, d1) -> (0, 0)>
#map2 = affine_map<(d0, d1) -> (0, 0, 0)>
module attributes {stable_mosaic.version = 14 : i64} {
  func.func @_hist_body(%arg0: i32, %arg1: i32, %arg2: memref<163840xi32, #tpu.memory_space<hbm>>, %arg3: memref<10000x16xf32, #tpu.memory_space<hbm>>, %arg4: memref<128x16xf32, #tpu.memory_space<hbm>>, %arg5: memref<2x10000x16xf32, #tpu.memory_space<hbm>>, %arg6: memref<128x16xf32, #tpu.memory_space<vmem>>, %arg7: memref<2x128xi32, #tpu.memory_space<vmem>>, %arg8: memref<10008x16xf32, #tpu.memory_space<vmem_shared>>, %arg9: memref<!tpu.dma_semaphore, #tpu.memory_space<semaphore_mem>>, %arg10: memref<!tpu.dma_semaphore, #tpu.memory_space<semaphore_mem>>, %arg11: memref<!tpu.dma_semaphore, #tpu.memory_space<semaphore_mem>>, %arg12: memref<!tpu.dma_semaphore, #tpu.memory_space<semaphore_mem>>) attributes {dimension_semantics = [#tpu.dimension_semantics<core_parallel>, #tpu.dimension_semantics<subcore_parallel>], iteration_bounds = array<i64: 2, 16>, scalar_prefetch = 0 : i64, scratch_operands = 7 : i64, tpu.core_type = #tpu.core_type<sc_vector_subcore>, window_params = [{transform_indices = #map}, {transform_indices = #map1}, {transform_indices = #map1}, {transform_indices = #map2}]} {
    %lt3A = arith.constant 15 : i32
    %lt3A_0 = arith.cmpi slt, %arg1, %lt3A : i32
    %convert_element_type3A = arith.extui %lt3A_0 : i1 to i32
    %cond3A = arith.constant 0 : i32
    %cond3A_1 = arith.cmpi ne, %convert_element_type3A, %cond3A : i32
    scf.if %cond3A_1 {
      %mul3A_46 = arith.constant 624 : i32
      %mul3A_47 = arith.muli %arg1, %mul3A_46 : i32
      "tpu.region"() ({
        %run_scoped3A = tpu.sem_alloc : memref<!tpu.dma_semaphore, #tpu.memory_space<semaphore_mem>>
        %dma_start3A_48 = arith.constant 0 : i32
        %dma_start3A_49 = tpu.memref_slice %arg8[%mul3A_47, %dma_start3A_48] : memref<10008x16xf32, #tpu.memory_space<vmem_shared>> -> memref<624x16xf32, #tpu.memory_space<vmem_shared>>
        %dma_start3A_50 = arith.constant 0 : i32
        %dma_start3A_51 = tpu.memref_slice %arg3[%mul3A_47, %dma_start3A_50] : memref<10000x16xf32, #tpu.memory_space<hbm>> -> memref<624x16xf32, #tpu.memory_space<hbm>>
        tpu.enqueue_dma source(%dma_start3A_51 : memref<624x16xf32, #tpu.memory_space<hbm>>) target(%dma_start3A_49 : memref<624x16xf32, #tpu.memory_space<vmem_shared>>) target_semaphore(%run_scoped3A : memref<!tpu.dma_semaphore, #tpu.memory_space<semaphore_mem>>)
        %dma_wait3A = arith.constant 0 : i32
        %dma_wait3A_52 = tpu.memref_slice %arg8[%mul3A_47, %dma_wait3A] : memref<10008x16xf32, #tpu.memory_space<vmem_shared>> -> memref<624x16xf32, #tpu.memory_space<vmem_shared>>
        %dma_wait3A_53 = arith.constant 0 : i32
        %dma_wait3A_54 = tpu.memref_slice %arg3[%mul3A_47, %dma_wait3A_53] : memref<10000x16xf32, #tpu.memory_space<hbm>> -> memref<624x16xf32, #tpu.memory_space<hbm>>
        tpu.wait_dma2 semaphore(%run_scoped3A : memref<!tpu.dma_semaphore, #tpu.memory_space<semaphore_mem>>) src(%dma_wait3A_54 : memref<624x16xf32, #tpu.memory_space<hbm>>) dst(%dma_wait3A_52 : memref<624x16xf32, #tpu.memory_space<vmem_shared>>)
        tpu.yield
      }) : () -> ()
    } else {
    }
    %eq3A = arith.constant 15 : i32
    %eq3A_2 = arith.cmpi eq, %arg1, %eq3A : i32
    %convert_element_type3A_3 = arith.extui %eq3A_2 : i1 to i32
    %cond3A_4 = arith.constant 0 : i32
    %cond3A_5 = arith.cmpi ne, %convert_element_type3A_3, %cond3A_4 : i32
    scf.if %cond3A_5 {
      "tpu.region"() ({
        %run_scoped3A = tpu.sem_alloc : memref<!tpu.dma_semaphore, #tpu.memory_space<semaphore_mem>>
        %dma_start3A_46 = arith.constant 9360 : i32
        %dma_start3A_47 = arith.constant 0 : i32
        %dma_start3A_48 = tpu.memref_slice %arg8[%dma_start3A_46, %dma_start3A_47] : memref<10008x16xf32, #tpu.memory_space<vmem_shared>> -> memref<640x16xf32, #tpu.memory_space<vmem_shared>>
        %dma_start3A_49 = arith.constant 9360 : i32
        %dma_start3A_50 = arith.constant 0 : i32
        %dma_start3A_51 = tpu.memref_slice %arg3[%dma_start3A_49, %dma_start3A_50] : memref<10000x16xf32, #tpu.memory_space<hbm>> -> memref<640x16xf32, #tpu.memory_space<hbm>>
        tpu.enqueue_dma source(%dma_start3A_51 : memref<640x16xf32, #tpu.memory_space<hbm>>) target(%dma_start3A_48 : memref<640x16xf32, #tpu.memory_space<vmem_shared>>) target_semaphore(%run_scoped3A : memref<!tpu.dma_semaphore, #tpu.memory_space<semaphore_mem>>)
        %dma_wait3A = arith.constant 9360 : i32
        %dma_wait3A_52 = arith.constant 0 : i32
        %dma_wait3A_53 = tpu.memref_slice %arg8[%dma_wait3A, %dma_wait3A_52] : memref<10008x16xf32, #tpu.memory_space<vmem_shared>> -> memref<640x16xf32, #tpu.memory_space<vmem_shared>>
        %dma_wait3A_54 = arith.constant 9360 : i32
        %dma_wait3A_55 = arith.constant 0 : i32
        %dma_wait3A_56 = tpu.memref_slice %arg3[%dma_wait3A_54, %dma_wait3A_55] : memref<10000x16xf32, #tpu.memory_space<hbm>> -> memref<640x16xf32, #tpu.memory_space<hbm>>
        tpu.wait_dma2 semaphore(%run_scoped3A : memref<!tpu.dma_semaphore, #tpu.memory_space<semaphore_mem>>) src(%dma_wait3A_56 : memref<640x16xf32, #tpu.memory_space<hbm>>) dst(%dma_wait3A_53 : memref<640x16xf32, #tpu.memory_space<vmem_shared>>)
        tpu.yield
      }) : () -> ()
    } else {
    }
    "tpu.region"() ({
      %run_scoped3A = tpu.sem_alloc : memref<!tpu.dma_semaphore, #tpu.memory_space<semaphore_mem>>
      tpu.enqueue_dma source(%arg4 : memref<128x16xf32, #tpu.memory_space<hbm>>) target(%arg6 : memref<128x16xf32, #tpu.memory_space<vmem>>) target_semaphore(%run_scoped3A : memref<!tpu.dma_semaphore, #tpu.memory_space<semaphore_mem>>)
      tpu.wait_dma2 semaphore(%run_scoped3A : memref<!tpu.dma_semaphore, #tpu.memory_space<semaphore_mem>>) src(%arg4 : memref<128x16xf32, #tpu.memory_space<hbm>>) dst(%arg6 : memref<128x16xf32, #tpu.memory_space<vmem>>)
      tpu.yield
    }) : () -> ()
    %barrier3A = arith.constant 0 : index
    tpu.barrier barrier_id(%barrier3A)
    %mul3A = arith.constant 2 : i32
    %mul3A_6 = arith.muli %arg1, %mul3A : i32
    %add3A = arith.addi %mul3A_6, %arg0 : i32
    %mul3A_7 = arith.constant 5120 : i32
    %mul3A_8 = arith.muli %add3A, %mul3A_7 : i32
    %add3A_9 = arith.constant 0 : i32
    %add3A_10 = arith.addi %mul3A_8, %add3A_9 : i32
    %dma_start3A = arith.constant 0 : i32
    %dma_start3A_11 = arith.constant 0 : i32
    %dma_start3A_12 = tpu.memref_slice %arg7[%dma_start3A, %dma_start3A_11] : memref<2x128xi32, #tpu.memory_space<vmem>> -> memref<1x128xi32, #tpu.memory_space<vmem>>
    %dma_start3A_13 = tpu.memref_squeeze %dma_start3A_12 : memref<1x128xi32, #tpu.memory_space<vmem>> -> memref<128xi32, #tpu.memory_space<vmem>>
    %dma_start3A_14 = tpu.memref_slice %arg2[%add3A_10] : memref<163840xi32, #tpu.memory_space<hbm>> -> memref<128xi32, #tpu.memory_space<hbm>>
    %dma_start3A_15 = arith.constant 0 : i32
    %dma_start3A_16 = tpu.memref_slice %arg7[%dma_start3A, %dma_start3A_15] : memref<2x128xi32, #tpu.memory_space<vmem>> -> memref<1x128xi32, #tpu.memory_space<vmem>>
    %dma_start3A_17 = tpu.memref_squeeze %dma_start3A_16 : memref<1x128xi32, #tpu.memory_space<vmem>> -> memref<128xi32, #tpu.memory_space<vmem>>
    %dma_start3A_18 = tpu.memref_slice %arg2[%add3A_10] : memref<163840xi32, #tpu.memory_space<hbm>> -> memref<128xi32, #tpu.memory_space<hbm>>
    tpu.enqueue_dma source(%dma_start3A_18 : memref<128xi32, #tpu.memory_space<hbm>>) target(%dma_start3A_17 : memref<128xi32, #tpu.memory_space<vmem>>) target_semaphore(%arg9 : memref<!tpu.dma_semaphore, #tpu.memory_space<semaphore_mem>>)
    %add3A_19 = arith.constant 128 : i32
    %add3A_20 = arith.addi %mul3A_8, %add3A_19 : i32
    %dma_start3A_21 = arith.constant 1 : i32
    %dma_start3A_22 = arith.constant 0 : i32
    %dma_start3A_23 = tpu.memref_slice %arg7[%dma_start3A_21, %dma_start3A_22] : memref<2x128xi32, #tpu.memory_space<vmem>> -> memref<1x128xi32, #tpu.memory_space<vmem>>
    %dma_start3A_24 = tpu.memref_squeeze %dma_start3A_23 : memref<1x128xi32, #tpu.memory_space<vmem>> -> memref<128xi32, #tpu.memory_space<vmem>>
    %dma_start3A_25 = tpu.memref_slice %arg2[%add3A_20] : memref<163840xi32, #tpu.memory_space<hbm>> -> memref<128xi32, #tpu.memory_space<hbm>>
    %dma_start3A_26 = arith.constant 0 : i32
    %dma_start3A_27 = tpu.memref_slice %arg7[%dma_start3A_21, %dma_start3A_26] : memref<2x128xi32, #tpu.memory_space<vmem>> -> memref<1x128xi32, #tpu.memory_space<vmem>>
    %dma_start3A_28 = tpu.memref_squeeze %dma_start3A_27 : memref<1x128xi32, #tpu.memory_space<vmem>> -> memref<128xi32, #tpu.memory_space<vmem>>
    %dma_start3A_29 = tpu.memref_slice %arg2[%add3A_20] : memref<163840xi32, #tpu.memory_space<hbm>> -> memref<128xi32, #tpu.memory_space<hbm>>
    tpu.enqueue_dma source(%dma_start3A_29 : memref<128xi32, #tpu.memory_space<hbm>>) target(%dma_start3A_28 : memref<128xi32, #tpu.memory_space<vmem>>) target_semaphore(%arg10 : memref<!tpu.dma_semaphore, #tpu.memory_space<semaphore_mem>>)
    %scan3A = arith.constant 0 : i32
    %scan3A_30 = arith.constant 0 : i32
    %scan3A_31 = arith.constant 20 : i32
    %scan3A_32 = arith.addi %scan3A_30, %scan3A_31 : i32
    %scan3A_33 = arith.constant 1 : i32
    scf.for %scan3A_46 = %scan3A_30 to %scan3A_32 step %scan3A_33  : i32 {
      %mul3A_47 = arith.constant 2 : i32
      %mul3A_48 = arith.muli %scan3A_46, %mul3A_47 : i32
      %add3A_49 = arith.constant 0 : i32
      %add3A_50 = arith.addi %mul3A_48, %add3A_49 : i32
      %mul3A_51 = arith.constant 128 : i32
      %mul3A_52 = arith.muli %add3A_50, %mul3A_51 : i32
      %add3A_53 = arith.addi %mul3A_8, %mul3A_52 : i32
      %dma_wait3A = arith.constant 0 : i32
      %dma_wait3A_54 = arith.constant 0 : i32
      %dma_wait3A_55 = tpu.memref_slice %arg7[%dma_wait3A, %dma_wait3A_54] : memref<2x128xi32, #tpu.memory_space<vmem>> -> memref<1x128xi32, #tpu.memory_space<vmem>>
      %dma_wait3A_56 = tpu.memref_squeeze %dma_wait3A_55 : memref<1x128xi32, #tpu.memory_space<vmem>> -> memref<128xi32, #tpu.memory_space<vmem>>
      %dma_wait3A_57 = tpu.memref_slice %arg2[%add3A_53] : memref<163840xi32, #tpu.memory_space<hbm>> -> memref<128xi32, #tpu.memory_space<hbm>>
      %dma_wait3A_58 = arith.constant 0 : i32
      %dma_wait3A_59 = tpu.memref_slice %arg7[%dma_wait3A, %dma_wait3A_58] : memref<2x128xi32, #tpu.memory_space<vmem>> -> memref<1x128xi32, #tpu.memory_space<vmem>>
      %dma_wait3A_60 = tpu.memref_squeeze %dma_wait3A_59 : memref<1x128xi32, #tpu.memory_space<vmem>> -> memref<128xi32, #tpu.memory_space<vmem>>
      %dma_wait3A_61 = tpu.memref_slice %arg2[%add3A_53] : memref<163840xi32, #tpu.memory_space<hbm>> -> memref<128xi32, #tpu.memory_space<hbm>>
      tpu.wait_dma2 semaphore(%arg9 : memref<!tpu.dma_semaphore, #tpu.memory_space<semaphore_mem>>) src(%dma_wait3A_61 : memref<128xi32, #tpu.memory_space<hbm>>) dst(%dma_wait3A_60 : memref<128xi32, #tpu.memory_space<vmem>>)
      %dma_start3A_62 = arith.constant 0 : i32
      %dma_start3A_63 = arith.constant 0 : i32
      %dma_start3A_64 = tpu.memref_slice %arg7[%dma_start3A_62, %dma_start3A_63] : memref<2x128xi32, #tpu.memory_space<vmem>> -> memref<1x128xi32, #tpu.memory_space<vmem>>
      %dma_start3A_65 = tpu.memref_squeeze %dma_start3A_64 : memref<1x128xi32, #tpu.memory_space<vmem>> -> memref<128xi32, #tpu.memory_space<vmem>>
      %dma_start3A_66 = arith.constant 0 : i32
      %dma_start3A_67 = arith.constant 0 : i32
      %dma_start3A_68 = tpu.memref_slice %arg8[%dma_start3A_66, %dma_start3A_67] : memref<10008x16xf32, #tpu.memory_space<vmem_shared>> -> memref<10008x16xf32, #tpu.memory_space<vmem_shared>>
      tpu.enqueue_indirect_dma source(%arg6 : memref<128x16xf32, #tpu.memory_space<vmem>>) target(%dma_start3A_68 : memref<10008x16xf32, #tpu.memory_space<vmem_shared>>) offsets(%dma_start3A_65 : memref<128xi32, #tpu.memory_space<vmem>>) semaphore(%arg11 : memref<!tpu.dma_semaphore, #tpu.memory_space<semaphore_mem>>) {add = true}
      %dma_wait3A_69 = arith.constant 0 : i32
      %dma_wait3A_70 = arith.constant 0 : i32
      %dma_wait3A_71 = tpu.memref_slice %arg7[%dma_wait3A_69, %dma_wait3A_70] : memref<2x128xi32, #tpu.memory_space<vmem>> -> memref<1x128xi32, #tpu.memory_space<vmem>>
      %dma_wait3A_72 = tpu.memref_squeeze %dma_wait3A_71 : memref<1x128xi32, #tpu.memory_space<vmem>> -> memref<128xi32, #tpu.memory_space<vmem>>
      %dma_wait3A_73 = arith.constant 0 : i32
      %dma_wait3A_74 = arith.constant 0 : i32
      %dma_wait3A_75 = tpu.memref_slice %arg8[%dma_wait3A_73, %dma_wait3A_74] : memref<10008x16xf32, #tpu.memory_space<vmem_shared>> -> memref<10008x16xf32, #tpu.memory_space<vmem_shared>>
      tpu.wait_indirect_dma semaphore(%arg11 : memref<!tpu.dma_semaphore, #tpu.memory_space<semaphore_mem>>) src(%arg6 : memref<128x16xf32, #tpu.memory_space<vmem>>) dst(%dma_wait3A_75 : memref<10008x16xf32, #tpu.memory_space<vmem_shared>>)
      %add3A_76 = arith.constant 2 : i32
      %add3A_77 = arith.addi %add3A_50, %add3A_76 : i32
      %lt3A_78 = arith.constant 40 : i32
      %lt3A_79 = arith.cmpi slt, %add3A_77, %lt3A_78 : i32
      %convert_element_type3A_80 = arith.extui %lt3A_79 : i1 to i32
      %cond3A_81 = arith.constant 0 : i32
      %cond3A_82 = arith.cmpi ne, %convert_element_type3A_80, %cond3A_81 : i32
      scf.if %cond3A_82 {
        %add3A_120 = arith.constant 2 : i32
        %add3A_121 = arith.addi %add3A_50, %add3A_120 : i32
        %mul3A_122 = arith.constant 128 : i32
        %mul3A_123 = arith.muli %add3A_121, %mul3A_122 : i32
        %add3A_124 = arith.addi %mul3A_8, %mul3A_123 : i32
        %dma_start3A_125 = arith.constant 0 : i32
        %dma_start3A_126 = arith.constant 0 : i32
        %dma_start3A_127 = tpu.memref_slice %arg7[%dma_start3A_125, %dma_start3A_126] : memref<2x128xi32, #tpu.memory_space<vmem>> -> memref<1x128xi32, #tpu.memory_space<vmem>>
        %dma_start3A_128 = tpu.memref_squeeze %dma_start3A_127 : memref<1x128xi32, #tpu.memory_space<vmem>> -> memref<128xi32, #tpu.memory_space<vmem>>
        %dma_start3A_129 = tpu.memref_slice %arg2[%add3A_124] : memref<163840xi32, #tpu.memory_space<hbm>> -> memref<128xi32, #tpu.memory_space<hbm>>
        %dma_start3A_130 = arith.constant 0 : i32
        %dma_start3A_131 = tpu.memref_slice %arg7[%dma_start3A_125, %dma_start3A_130] : memref<2x128xi32, #tpu.memory_space<vmem>> -> memref<1x128xi32, #tpu.memory_space<vmem>>
        %dma_start3A_132 = tpu.memref_squeeze %dma_start3A_131 : memref<1x128xi32, #tpu.memory_space<vmem>> -> memref<128xi32, #tpu.memory_space<vmem>>
        %dma_start3A_133 = tpu.memref_slice %arg2[%add3A_124] : memref<163840xi32, #tpu.memory_space<hbm>> -> memref<128xi32, #tpu.memory_space<hbm>>
        tpu.enqueue_dma source(%dma_start3A_133 : memref<128xi32, #tpu.memory_space<hbm>>) target(%dma_start3A_132 : memref<128xi32, #tpu.memory_space<vmem>>) target_semaphore(%arg9 : memref<!tpu.dma_semaphore, #tpu.memory_space<semaphore_mem>>)
      } else {
      }
      %mul3A_83 = arith.constant 2 : i32
      %mul3A_84 = arith.muli %scan3A_46, %mul3A_83 : i32
      %add3A_85 = arith.constant 1 : i32
      %add3A_86 = arith.addi %mul3A_84, %add3A_85 : i32
      %mul3A_87 = arith.constant 128 : i32
      %mul3A_88 = arith.muli %add3A_86, %mul3A_87 : i32
      %add3A_89 = arith.addi %mul3A_8, %mul3A_88 : i32
      %dma_wait3A_90 = arith.constant 1 : i32
      %dma_wait3A_91 = arith.constant 0 : i32
      %dma_wait3A_92 = tpu.memref_slice %arg7[%dma_wait3A_90, %dma_wait3A_91] : memref<2x128xi32, #tpu.memory_space<vmem>> -> memref<1x128xi32, #tpu.memory_space<vmem>>
      %dma_wait3A_93 = tpu.memref_squeeze %dma_wait3A_92 : memref<1x128xi32, #tpu.memory_space<vmem>> -> memref<128xi32, #tpu.memory_space<vmem>>
      %dma_wait3A_94 = tpu.memref_slice %arg2[%add3A_89] : memref<163840xi32, #tpu.memory_space<hbm>> -> memref<128xi32, #tpu.memory_space<hbm>>
      %dma_wait3A_95 = arith.constant 0 : i32
      %dma_wait3A_96 = tpu.memref_slice %arg7[%dma_wait3A_90, %dma_wait3A_95] : memref<2x128xi32, #tpu.memory_space<vmem>> -> memref<1x128xi32, #tpu.memory_space<vmem>>
      %dma_wait3A_97 = tpu.memref_squeeze %dma_wait3A_96 : memref<1x128xi32, #tpu.memory_space<vmem>> -> memref<128xi32, #tpu.memory_space<vmem>>
      %dma_wait3A_98 = tpu.memref_slice %arg2[%add3A_89] : memref<163840xi32, #tpu.memory_space<hbm>> -> memref<128xi32, #tpu.memory_space<hbm>>
      tpu.wait_dma2 semaphore(%arg10 : memref<!tpu.dma_semaphore, #tpu.memory_space<semaphore_mem>>) src(%dma_wait3A_98 : memref<128xi32, #tpu.memory_space<hbm>>) dst(%dma_wait3A_97 : memref<128xi32, #tpu.memory_space<vmem>>)
      %dma_start3A_99 = arith.constant 1 : i32
      %dma_start3A_100 = arith.constant 0 : i32
      %dma_start3A_101 = tpu.memref_slice %arg7[%dma_start3A_99, %dma_start3A_100] : memref<2x128xi32, #tpu.memory_space<vmem>> -> memref<1x128xi32, #tpu.memory_space<vmem>>
      %dma_start3A_102 = tpu.memref_squeeze %dma_start3A_101 : memref<1x128xi32, #tpu.memory_space<vmem>> -> memref<128xi32, #tpu.memory_space<vmem>>
      %dma_start3A_103 = arith.constant 0 : i32
      %dma_start3A_104 = arith.constant 0 : i32
      %dma_start3A_105 = tpu.memref_slice %arg8[%dma_start3A_103, %dma_start3A_104] : memref<10008x16xf32, #tpu.memory_space<vmem_shared>> -> memref<10008x16xf32, #tpu.memory_space<vmem_shared>>
      tpu.enqueue_indirect_dma source(%arg6 : memref<128x16xf32, #tpu.memory_space<vmem>>) target(%dma_start3A_105 : memref<10008x16xf32, #tpu.memory_space<vmem_shared>>) offsets(%dma_start3A_102 : memref<128xi32, #tpu.memory_space<vmem>>) semaphore(%arg12 : memref<!tpu.dma_semaphore, #tpu.memory_space<semaphore_mem>>) {add = true}
      %dma_wait3A_106 = arith.constant 1 : i32
      %dma_wait3A_107 = arith.constant 0 : i32
      %dma_wait3A_108 = tpu.memref_slice %arg7[%dma_wait3A_106, %dma_wait3A_107] : memref<2x128xi32, #tpu.memory_space<vmem>> -> memref<1x128xi32, #tpu.memory_space<vmem>>
      %dma_wait3A_109 = tpu.memref_squeeze %dma_wait3A_108 : memref<1x128xi32, #tpu.memory_space<vmem>> -> memref<128xi32, #tpu.memory_space<vmem>>
      %dma_wait3A_110 = arith.constant 0 : i32
      %dma_wait3A_111 = arith.constant 0 : i32
      %dma_wait3A_112 = tpu.memref_slice %arg8[%dma_wait3A_110, %dma_wait3A_111] : memref<10008x16xf32, #tpu.memory_space<vmem_shared>> -> memref<10008x16xf32, #tpu.memory_space<vmem_shared>>
      tpu.wait_indirect_dma semaphore(%arg12 : memref<!tpu.dma_semaphore, #tpu.memory_space<semaphore_mem>>) src(%arg6 : memref<128x16xf32, #tpu.memory_space<vmem>>) dst(%dma_wait3A_112 : memref<10008x16xf32, #tpu.memory_space<vmem_shared>>)
      %add3A_113 = arith.constant 2 : i32
      %add3A_114 = arith.addi %add3A_86, %add3A_113 : i32
      %lt3A_115 = arith.constant 40 : i32
      %lt3A_116 = arith.cmpi slt, %add3A_114, %lt3A_115 : i32
      %convert_element_type3A_117 = arith.extui %lt3A_116 : i1 to i32
      %cond3A_118 = arith.constant 0 : i32
      %cond3A_119 = arith.cmpi ne, %convert_element_type3A_117, %cond3A_118 : i32
      scf.if %cond3A_119 {
        %add3A_120 = arith.constant 2 : i32
        %add3A_121 = arith.addi %add3A_86, %add3A_120 : i32
        %mul3A_122 = arith.constant 128 : i32
        %mul3A_123 = arith.muli %add3A_121, %mul3A_122 : i32
        %add3A_124 = arith.addi %mul3A_8, %mul3A_123 : i32
        %dma_start3A_125 = arith.constant 1 : i32
        %dma_start3A_126 = arith.constant 0 : i32
        %dma_start3A_127 = tpu.memref_slice %arg7[%dma_start3A_125, %dma_start3A_126] : memref<2x128xi32, #tpu.memory_space<vmem>> -> memref<1x128xi32, #tpu.memory_space<vmem>>
        %dma_start3A_128 = tpu.memref_squeeze %dma_start3A_127 : memref<1x128xi32, #tpu.memory_space<vmem>> -> memref<128xi32, #tpu.memory_space<vmem>>
        %dma_start3A_129 = tpu.memref_slice %arg2[%add3A_124] : memref<163840xi32, #tpu.memory_space<hbm>> -> memref<128xi32, #tpu.memory_space<hbm>>
        %dma_start3A_130 = arith.constant 0 : i32
        %dma_start3A_131 = tpu.memref_slice %arg7[%dma_start3A_125, %dma_start3A_130] : memref<2x128xi32, #tpu.memory_space<vmem>> -> memref<1x128xi32, #tpu.memory_space<vmem>>
        %dma_start3A_132 = tpu.memref_squeeze %dma_start3A_131 : memref<1x128xi32, #tpu.memory_space<vmem>> -> memref<128xi32, #tpu.memory_space<vmem>>
        %dma_start3A_133 = tpu.memref_slice %arg2[%add3A_124] : memref<163840xi32, #tpu.memory_space<hbm>> -> memref<128xi32, #tpu.memory_space<hbm>>
        tpu.enqueue_dma source(%dma_start3A_133 : memref<128xi32, #tpu.memory_space<hbm>>) target(%dma_start3A_132 : memref<128xi32, #tpu.memory_space<vmem>>) target_semaphore(%arg10 : memref<!tpu.dma_semaphore, #tpu.memory_space<semaphore_mem>>)
      } else {
      }
    }
    %scan3A_34 = arith.constant 20 : i32
    %barrier3A_35 = arith.constant 0 : index
    tpu.barrier barrier_id(%barrier3A_35)
    %lt3A_36 = arith.constant 15 : i32
    %lt3A_37 = arith.cmpi slt, %arg1, %lt3A_36 : i32
    %convert_element_type3A_38 = arith.extui %lt3A_37 : i1 to i32
    %cond3A_39 = arith.constant 0 : i32
    %cond3A_40 = arith.cmpi ne, %convert_element_type3A_38, %cond3A_39 : i32
    scf.if %cond3A_40 {
      %mul3A_46 = arith.constant 624 : i32
      %mul3A_47 = arith.muli %arg1, %mul3A_46 : i32
      "tpu.region"() ({
        %run_scoped3A = tpu.sem_alloc : memref<!tpu.dma_semaphore, #tpu.memory_space<semaphore_mem>>
        %dma_start3A_48 = arith.constant 0 : i32
        %dma_start3A_49 = tpu.memref_slice %arg5[%arg0, %mul3A_47, %dma_start3A_48] : memref<2x10000x16xf32, #tpu.memory_space<hbm>> -> memref<1x624x16xf32, #tpu.memory_space<hbm>>
        %dma_start3A_50 = tpu.memref_squeeze %dma_start3A_49 : memref<1x624x16xf32, #tpu.memory_space<hbm>> -> memref<624x16xf32, #tpu.memory_space<hbm>>
        %dma_start3A_51 = arith.constant 0 : i32
        %dma_start3A_52 = tpu.memref_slice %arg8[%mul3A_47, %dma_start3A_51] : memref<10008x16xf32, #tpu.memory_space<vmem_shared>> -> memref<624x16xf32, #tpu.memory_space<vmem_shared>>
        tpu.enqueue_dma source(%dma_start3A_52 : memref<624x16xf32, #tpu.memory_space<vmem_shared>>) target(%dma_start3A_50 : memref<624x16xf32, #tpu.memory_space<hbm>>) target_semaphore(%run_scoped3A : memref<!tpu.dma_semaphore, #tpu.memory_space<semaphore_mem>>)
        %dma_wait3A = arith.constant 0 : i32
        %dma_wait3A_53 = tpu.memref_slice %arg5[%arg0, %mul3A_47, %dma_wait3A] : memref<2x10000x16xf32, #tpu.memory_space<hbm>> -> memref<1x624x16xf32, #tpu.memory_space<hbm>>
        %dma_wait3A_54 = tpu.memref_squeeze %dma_wait3A_53 : memref<1x624x16xf32, #tpu.memory_space<hbm>> -> memref<624x16xf32, #tpu.memory_space<hbm>>
        %dma_wait3A_55 = arith.constant 0 : i32
        %dma_wait3A_56 = tpu.memref_slice %arg8[%mul3A_47, %dma_wait3A_55] : memref<10008x16xf32, #tpu.memory_space<vmem_shared>> -> memref<624x16xf32, #tpu.memory_space<vmem_shared>>
        tpu.wait_dma2 semaphore(%run_scoped3A : memref<!tpu.dma_semaphore, #tpu.memory_space<semaphore_mem>>) src(%dma_wait3A_56 : memref<624x16xf32, #tpu.memory_space<vmem_shared>>) dst(%dma_wait3A_54 : memref<624x16xf32, #tpu.memory_space<hbm>>)
        tpu.yield
      }) : () -> ()
    } else {
    }
    %eq3A_41 = arith.constant 15 : i32
    %eq3A_42 = arith.cmpi eq, %arg1, %eq3A_41 : i32
    %convert_element_type3A_43 = arith.extui %eq3A_42 : i1 to i32
    %cond3A_44 = arith.constant 0 : i32
    %cond3A_45 = arith.cmpi ne, %convert_element_type3A_43, %cond3A_44 : i32
    scf.if %cond3A_45 {
      "tpu.region"() ({
        %run_scoped3A = tpu.sem_alloc : memref<!tpu.dma_semaphore, #tpu.memory_space<semaphore_mem>>
        %dma_start3A_46 = arith.constant 9360 : i32
        %dma_start3A_47 = arith.constant 0 : i32
        %dma_start3A_48 = tpu.memref_slice %arg5[%arg0, %dma_start3A_46, %dma_start3A_47] : memref<2x10000x16xf32, #tpu.memory_space<hbm>> -> memref<1x640x16xf32, #tpu.memory_space<hbm>>
        %dma_start3A_49 = tpu.memref_squeeze %dma_start3A_48 : memref<1x640x16xf32, #tpu.memory_space<hbm>> -> memref<640x16xf32, #tpu.memory_space<hbm>>
        %dma_start3A_50 = arith.constant 9360 : i32
        %dma_start3A_51 = arith.constant 0 : i32
        %dma_start3A_52 = tpu.memref_slice %arg8[%dma_start3A_50, %dma_start3A_51] : memref<10008x16xf32, #tpu.memory_space<vmem_shared>> -> memref<640x16xf32, #tpu.memory_space<vmem_shared>>
        tpu.enqueue_dma source(%dma_start3A_52 : memref<640x16xf32, #tpu.memory_space<vmem_shared>>) target(%dma_start3A_49 : memref<640x16xf32, #tpu.memory_space<hbm>>) target_semaphore(%run_scoped3A : memref<!tpu.dma_semaphore, #tpu.memory_space<semaphore_mem>>)
        %dma_wait3A = arith.constant 9360 : i32
        %dma_wait3A_53 = arith.constant 0 : i32
        %dma_wait3A_54 = tpu.memref_slice %arg5[%arg0, %dma_wait3A, %dma_wait3A_53] : memref<2x10000x16xf32, #tpu.memory_space<hbm>> -> memref<1x640x16xf32, #tpu.memory_space<hbm>>
        %dma_wait3A_55 = tpu.memref_squeeze %dma_wait3A_54 : memref<1x640x16xf32, #tpu.memory_space<hbm>> -> memref<640x16xf32, #tpu.memory_space<hbm>>
        %dma_wait3A_56 = arith.constant 9360 : i32
        %dma_wait3A_57 = arith.constant 0 : i32
        %dma_wait3A_58 = tpu.memref_slice %arg8[%dma_wait3A_56, %dma_wait3A_57] : memref<10008x16xf32, #tpu.memory_space<vmem_shared>> -> memref<640x16xf32, #tpu.memory_space<vmem_shared>>
        tpu.wait_dma2 semaphore(%run_scoped3A : memref<!tpu.dma_semaphore, #tpu.memory_space<semaphore_mem>>) src(%dma_wait3A_58 : memref<640x16xf32, #tpu.memory_space<vmem_shared>>) dst(%dma_wait3A_55 : memref<640x16xf32, #tpu.memory_space<hbm>>)
        tpu.yield
      }) : () -> ()
    } else {
    }
    return
  }
}

#map = affine_map<(d0, d1) -> (0, 0)>
#map1 = affine_map<(d0, d1) -> (0)>
#map2 = affine_map<(d0, d1) -> (0, 0, 0)>
module attributes {stable_mosaic.version = 14 : i64} {
  func.func @_agg_body(%arg0: i32, %arg1: i32, %arg2: memref<20000x128xf32, #tpu.memory_space<hbm>>, %arg3: memref<327680xi32, #tpu.memory_space<hbm>>, %arg4: memref<163840xi32, #tpu.memory_space<hbm>>, %arg5: memref<2x10000x128xf32, #tpu.memory_space<hbm>>, %arg6: memref<10240xi32, #tpu.memory_space<vmem>>, %arg7: memref<2x128xi32, #tpu.memory_space<vmem>>, %arg8: memref<2x128x128xf32, #tpu.memory_space<vmem>>, %arg9: memref<10008x128xf32, #tpu.memory_space<vmem_shared>>, %arg10: memref<!tpu.dma_semaphore, #tpu.memory_space<semaphore_mem>>, %arg11: memref<!tpu.dma_semaphore, #tpu.memory_space<semaphore_mem>>, %arg12: memref<!tpu.dma_semaphore, #tpu.memory_space<semaphore_mem>>, %arg13: memref<!tpu.dma_semaphore, #tpu.memory_space<semaphore_mem>>, %arg14: memref<!tpu.dma_semaphore, #tpu.memory_space<semaphore_mem>>, %arg15: memref<!tpu.dma_semaphore, #tpu.memory_space<semaphore_mem>>) attributes {dimension_semantics = [#tpu.dimension_semantics<core_parallel>, #tpu.dimension_semantics<subcore_parallel>], iteration_bounds = array<i64: 2, 16>, scalar_prefetch = 0 : i64, scratch_operands = 10 : i64, tpu.core_type = #tpu.core_type<sc_vector_subcore>, window_params = [{transform_indices = #map}, {transform_indices = #map1}, {transform_indices = #map1}, {transform_indices = #map2}]} {
    %mul3A = arith.constant 163840 : i32
    %mul3A_0 = arith.muli %arg0, %mul3A : i32
    %mul3A_1 = arith.constant 10240 : i32
    %mul3A_2 = arith.muli %arg1, %mul3A_1 : i32
    %add3A = arith.addi %mul3A_0, %mul3A_2 : i32
    "tpu.region"() ({
      %run_scoped3A = tpu.sem_alloc : memref<!tpu.dma_semaphore, #tpu.memory_space<semaphore_mem>>
      %dma_start3A_68 = tpu.memref_slice %arg3[%add3A] : memref<327680xi32, #tpu.memory_space<hbm>> -> memref<10240xi32, #tpu.memory_space<hbm>>
      %dma_start3A_69 = tpu.memref_slice %arg3[%add3A] : memref<327680xi32, #tpu.memory_space<hbm>> -> memref<10240xi32, #tpu.memory_space<hbm>>
      tpu.enqueue_dma source(%dma_start3A_69 : memref<10240xi32, #tpu.memory_space<hbm>>) target(%arg6 : memref<10240xi32, #tpu.memory_space<vmem>>) target_semaphore(%run_scoped3A : memref<!tpu.dma_semaphore, #tpu.memory_space<semaphore_mem>>)
      %dma_wait3A = tpu.memref_slice %arg3[%add3A] : memref<327680xi32, #tpu.memory_space<hbm>> -> memref<10240xi32, #tpu.memory_space<hbm>>
      %dma_wait3A_70 = tpu.memref_slice %arg3[%add3A] : memref<327680xi32, #tpu.memory_space<hbm>> -> memref<10240xi32, #tpu.memory_space<hbm>>
      tpu.wait_dma2 semaphore(%run_scoped3A : memref<!tpu.dma_semaphore, #tpu.memory_space<semaphore_mem>>) src(%dma_wait3A_70 : memref<10240xi32, #tpu.memory_space<hbm>>) dst(%arg6 : memref<10240xi32, #tpu.memory_space<vmem>>)
      tpu.yield
    }) : () -> ()
    %lt3A = arith.constant 15 : i32
    %lt3A_3 = arith.cmpi slt, %arg1, %lt3A : i32
    %convert_element_type3A = arith.extui %lt3A_3 : i1 to i32
    %cond3A = arith.constant 0 : i32
    %cond3A_4 = arith.cmpi ne, %convert_element_type3A, %cond3A : i32
    scf.if %cond3A_4 {
      %mul3A_68 = arith.constant 624 : i32
      %mul3A_69 = arith.muli %arg1, %mul3A_68 : i32
      %mul3A_70 = arith.constant 10000 : i32
      %mul3A_71 = arith.muli %arg0, %mul3A_70 : i32
      %add3A_72 = arith.addi %mul3A_71, %mul3A_69 : i32
      "tpu.region"() ({
        %run_scoped3A = tpu.sem_alloc : memref<!tpu.dma_semaphore, #tpu.memory_space<semaphore_mem>>
        %dma_start3A_73 = arith.constant 0 : i32
        %dma_start3A_74 = tpu.memref_slice %arg9[%mul3A_69, %dma_start3A_73] : memref<10008x128xf32, #tpu.memory_space<vmem_shared>> -> memref<624x128xf32, #tpu.memory_space<vmem_shared>>
        %dma_start3A_75 = arith.constant 0 : i32
        %dma_start3A_76 = tpu.memref_slice %arg2[%add3A_72, %dma_start3A_75] : memref<20000x128xf32, #tpu.memory_space<hbm>> -> memref<624x128xf32, #tpu.memory_space<hbm>>
        tpu.enqueue_dma source(%dma_start3A_76 : memref<624x128xf32, #tpu.memory_space<hbm>>) target(%dma_start3A_74 : memref<624x128xf32, #tpu.memory_space<vmem_shared>>) target_semaphore(%run_scoped3A : memref<!tpu.dma_semaphore, #tpu.memory_space<semaphore_mem>>)
        %dma_wait3A = arith.constant 0 : i32
        %dma_wait3A_77 = tpu.memref_slice %arg9[%mul3A_69, %dma_wait3A] : memref<10008x128xf32, #tpu.memory_space<vmem_shared>> -> memref<624x128xf32, #tpu.memory_space<vmem_shared>>
        %dma_wait3A_78 = arith.constant 0 : i32
        %dma_wait3A_79 = tpu.memref_slice %arg2[%add3A_72, %dma_wait3A_78] : memref<20000x128xf32, #tpu.memory_space<hbm>> -> memref<624x128xf32, #tpu.memory_space<hbm>>
        tpu.wait_dma2 semaphore(%run_scoped3A : memref<!tpu.dma_semaphore, #tpu.memory_space<semaphore_mem>>) src(%dma_wait3A_79 : memref<624x128xf32, #tpu.memory_space<hbm>>) dst(%dma_wait3A_77 : memref<624x128xf32, #tpu.memory_space<vmem_shared>>)
        tpu.yield
      }) : () -> ()
    } else {
    }
    %eq3A = arith.constant 15 : i32
    %eq3A_5 = arith.cmpi eq, %arg1, %eq3A : i32
    %convert_element_type3A_6 = arith.extui %eq3A_5 : i1 to i32
    %cond3A_7 = arith.constant 0 : i32
    %cond3A_8 = arith.cmpi ne, %convert_element_type3A_6, %cond3A_7 : i32
    scf.if %cond3A_8 {
      %mul3A_68 = arith.constant 10000 : i32
      %mul3A_69 = arith.muli %arg0, %mul3A_68 : i32
      %add3A_70 = arith.constant 9360 : i32
      %add3A_71 = arith.addi %mul3A_69, %add3A_70 : i32
      "tpu.region"() ({
        %run_scoped3A = tpu.sem_alloc : memref<!tpu.dma_semaphore, #tpu.memory_space<semaphore_mem>>
        %dma_start3A_72 = arith.constant 9360 : i32
        %dma_start3A_73 = arith.constant 0 : i32
        %dma_start3A_74 = tpu.memref_slice %arg9[%dma_start3A_72, %dma_start3A_73] : memref<10008x128xf32, #tpu.memory_space<vmem_shared>> -> memref<640x128xf32, #tpu.memory_space<vmem_shared>>
        %dma_start3A_75 = arith.constant 0 : i32
        %dma_start3A_76 = tpu.memref_slice %arg2[%add3A_71, %dma_start3A_75] : memref<20000x128xf32, #tpu.memory_space<hbm>> -> memref<640x128xf32, #tpu.memory_space<hbm>>
        tpu.enqueue_dma source(%dma_start3A_76 : memref<640x128xf32, #tpu.memory_space<hbm>>) target(%dma_start3A_74 : memref<640x128xf32, #tpu.memory_space<vmem_shared>>) target_semaphore(%run_scoped3A : memref<!tpu.dma_semaphore, #tpu.memory_space<semaphore_mem>>)
        %dma_wait3A = arith.constant 9360 : i32
        %dma_wait3A_77 = arith.constant 0 : i32
        %dma_wait3A_78 = tpu.memref_slice %arg9[%dma_wait3A, %dma_wait3A_77] : memref<10008x128xf32, #tpu.memory_space<vmem_shared>> -> memref<640x128xf32, #tpu.memory_space<vmem_shared>>
        %dma_wait3A_79 = arith.constant 0 : i32
        %dma_wait3A_80 = tpu.memref_slice %arg2[%add3A_71, %dma_wait3A_79] : memref<20000x128xf32, #tpu.memory_space<hbm>> -> memref<640x128xf32, #tpu.memory_space<hbm>>
        tpu.wait_dma2 semaphore(%run_scoped3A : memref<!tpu.dma_semaphore, #tpu.memory_space<semaphore_mem>>) src(%dma_wait3A_80 : memref<640x128xf32, #tpu.memory_space<hbm>>) dst(%dma_wait3A_78 : memref<640x128xf32, #tpu.memory_space<vmem_shared>>)
        tpu.yield
      }) : () -> ()
    } else {
    }
    %barrier3A = arith.constant 0 : index
    tpu.barrier barrier_id(%barrier3A)
    %mul3A_9 = arith.constant 10240 : i32
    %mul3A_10 = arith.muli %arg1, %mul3A_9 : i32
    %add3A_11 = arith.constant 0 : i32
    %add3A_12 = arith.addi %mul3A_10, %add3A_11 : i32
    %dma_start3A = arith.constant 0 : i32
    %dma_start3A_13 = arith.constant 0 : i32
    %dma_start3A_14 = tpu.memref_slice %arg7[%dma_start3A, %dma_start3A_13] : memref<2x128xi32, #tpu.memory_space<vmem>> -> memref<1x128xi32, #tpu.memory_space<vmem>>
    %dma_start3A_15 = tpu.memref_squeeze %dma_start3A_14 : memref<1x128xi32, #tpu.memory_space<vmem>> -> memref<128xi32, #tpu.memory_space<vmem>>
    %dma_start3A_16 = tpu.memref_slice %arg4[%add3A_12] : memref<163840xi32, #tpu.memory_space<hbm>> -> memref<128xi32, #tpu.memory_space<hbm>>
    %dma_start3A_17 = arith.constant 0 : i32
    %dma_start3A_18 = tpu.memref_slice %arg7[%dma_start3A, %dma_start3A_17] : memref<2x128xi32, #tpu.memory_space<vmem>> -> memref<1x128xi32, #tpu.memory_space<vmem>>
    %dma_start3A_19 = tpu.memref_squeeze %dma_start3A_18 : memref<1x128xi32, #tpu.memory_space<vmem>> -> memref<128xi32, #tpu.memory_space<vmem>>
    %dma_start3A_20 = tpu.memref_slice %arg4[%add3A_12] : memref<163840xi32, #tpu.memory_space<hbm>> -> memref<128xi32, #tpu.memory_space<hbm>>
    tpu.enqueue_dma source(%dma_start3A_20 : memref<128xi32, #tpu.memory_space<hbm>>) target(%dma_start3A_19 : memref<128xi32, #tpu.memory_space<vmem>>) target_semaphore(%arg14 : memref<!tpu.dma_semaphore, #tpu.memory_space<semaphore_mem>>)
    %dma_start3A_21 = arith.constant 0 : i32
    %dma_start3A_22 = arith.constant 0 : i32
    %dma_start3A_23 = arith.constant 0 : i32
    %dma_start3A_24 = tpu.memref_slice %arg8[%dma_start3A_21, %dma_start3A_22, %dma_start3A_23] : memref<2x128x128xf32, #tpu.memory_space<vmem>> -> memref<1x128x128xf32, #tpu.memory_space<vmem>>
    %dma_start3A_25 = tpu.memref_squeeze %dma_start3A_24 : memref<1x128x128xf32, #tpu.memory_space<vmem>> -> memref<128x128xf32, #tpu.memory_space<vmem>>
    %dma_start3A_26 = arith.constant 0 : i32
    %dma_start3A_27 = tpu.memref_slice %arg6[%dma_start3A_26] : memref<10240xi32, #tpu.memory_space<vmem>> -> memref<128xi32, #tpu.memory_space<vmem>>
    %dma_start3A_28 = arith.constant 0 : i32
    %dma_start3A_29 = arith.constant 0 : i32
    %dma_start3A_30 = tpu.memref_slice %arg2[%dma_start3A_28, %dma_start3A_29] : memref<20000x128xf32, #tpu.memory_space<hbm>> -> memref<20000x128xf32, #tpu.memory_space<hbm>>
    tpu.enqueue_indirect_dma source(%dma_start3A_30 : memref<20000x128xf32, #tpu.memory_space<hbm>>) target(%dma_start3A_25 : memref<128x128xf32, #tpu.memory_space<vmem>>) offsets(%dma_start3A_27 : memref<128xi32, #tpu.memory_space<vmem>>) semaphore(%arg10 : memref<!tpu.dma_semaphore, #tpu.memory_space<semaphore_mem>>)
    %add3A_31 = arith.constant 128 : i32
    %add3A_32 = arith.addi %mul3A_10, %add3A_31 : i32
    %dma_start3A_33 = arith.constant 1 : i32
    %dma_start3A_34 = arith.constant 0 : i32
    %dma_start3A_35 = tpu.memref_slice %arg7[%dma_start3A_33, %dma_start3A_34] : memref<2x128xi32, #tpu.memory_space<vmem>> -> memref<1x128xi32, #tpu.memory_space<vmem>>
    %dma_start3A_36 = tpu.memref_squeeze %dma_start3A_35 : memref<1x128xi32, #tpu.memory_space<vmem>> -> memref<128xi32, #tpu.memory_space<vmem>>
    %dma_start3A_37 = tpu.memref_slice %arg4[%add3A_32] : memref<163840xi32, #tpu.memory_space<hbm>> -> memref<128xi32, #tpu.memory_space<hbm>>
    %dma_start3A_38 = arith.constant 0 : i32
    %dma_start3A_39 = tpu.memref_slice %arg7[%dma_start3A_33, %dma_start3A_38] : memref<2x128xi32, #tpu.memory_space<vmem>> -> memref<1x128xi32, #tpu.memory_space<vmem>>
    %dma_start3A_40 = tpu.memref_squeeze %dma_start3A_39 : memref<1x128xi32, #tpu.memory_space<vmem>> -> memref<128xi32, #tpu.memory_space<vmem>>
    %dma_start3A_41 = tpu.memref_slice %arg4[%add3A_32] : memref<163840xi32, #tpu.memory_space<hbm>> -> memref<128xi32, #tpu.memory_space<hbm>>
    tpu.enqueue_dma source(%dma_start3A_41 : memref<128xi32, #tpu.memory_space<hbm>>) target(%dma_start3A_40 : memref<128xi32, #tpu.memory_space<vmem>>) target_semaphore(%arg15 : memref<!tpu.dma_semaphore, #tpu.memory_space<semaphore_mem>>)
    %dma_start3A_42 = arith.constant 1 : i32
    %dma_start3A_43 = arith.constant 0 : i32
    %dma_start3A_44 = arith.constant 0 : i32
    %dma_start3A_45 = tpu.memref_slice %arg8[%dma_start3A_42, %dma_start3A_43, %dma_start3A_44] : memref<2x128x128xf32, #tpu.memory_space<vmem>> -> memref<1x128x128xf32, #tpu.memory_space<vmem>>
    %dma_start3A_46 = tpu.memref_squeeze %dma_start3A_45 : memref<1x128x128xf32, #tpu.memory_space<vmem>> -> memref<128x128xf32, #tpu.memory_space<vmem>>
    %dma_start3A_47 = arith.constant 128 : i32
    %dma_start3A_48 = tpu.memref_slice %arg6[%dma_start3A_47] : memref<10240xi32, #tpu.memory_space<vmem>> -> memref<128xi32, #tpu.memory_space<vmem>>
    %dma_start3A_49 = arith.constant 0 : i32
    %dma_start3A_50 = arith.constant 0 : i32
    %dma_start3A_51 = tpu.memref_slice %arg2[%dma_start3A_49, %dma_start3A_50] : memref<20000x128xf32, #tpu.memory_space<hbm>> -> memref<20000x128xf32, #tpu.memory_space<hbm>>
    tpu.enqueue_indirect_dma source(%dma_start3A_51 : memref<20000x128xf32, #tpu.memory_space<hbm>>) target(%dma_start3A_46 : memref<128x128xf32, #tpu.memory_space<vmem>>) offsets(%dma_start3A_48 : memref<128xi32, #tpu.memory_space<vmem>>) semaphore(%arg11 : memref<!tpu.dma_semaphore, #tpu.memory_space<semaphore_mem>>)
    %scan3A = arith.constant 0 : i32
    %scan3A_52 = arith.constant 0 : i32
    %scan3A_53 = arith.constant 40 : i32
    %scan3A_54 = arith.addi %scan3A_52, %scan3A_53 : i32
    %scan3A_55 = arith.constant 1 : i32
    scf.for %scan3A_68 = %scan3A_52 to %scan3A_54 step %scan3A_55  : i32 {
      %mul3A_69 = arith.constant 2 : i32
      %mul3A_70 = arith.muli %scan3A_68, %mul3A_69 : i32
      %add3A_71 = arith.constant 0 : i32
      %add3A_72 = arith.addi %mul3A_70, %add3A_71 : i32
      %mul3A_73 = arith.constant 128 : i32
      %mul3A_74 = arith.muli %add3A_72, %mul3A_73 : i32
      %add3A_75 = arith.addi %mul3A_10, %mul3A_74 : i32
      %dma_wait3A = arith.constant 0 : i32
      %dma_wait3A_76 = arith.constant 0 : i32
      %dma_wait3A_77 = tpu.memref_slice %arg7[%dma_wait3A, %dma_wait3A_76] : memref<2x128xi32, #tpu.memory_space<vmem>> -> memref<1x128xi32, #tpu.memory_space<vmem>>
      %dma_wait3A_78 = tpu.memref_squeeze %dma_wait3A_77 : memref<1x128xi32, #tpu.memory_space<vmem>> -> memref<128xi32, #tpu.memory_space<vmem>>
      %dma_wait3A_79 = tpu.memref_slice %arg4[%add3A_75] : memref<163840xi32, #tpu.memory_space<hbm>> -> memref<128xi32, #tpu.memory_space<hbm>>
      %dma_wait3A_80 = arith.constant 0 : i32
      %dma_wait3A_81 = tpu.memref_slice %arg7[%dma_wait3A, %dma_wait3A_80] : memref<2x128xi32, #tpu.memory_space<vmem>> -> memref<1x128xi32, #tpu.memory_space<vmem>>
      %dma_wait3A_82 = tpu.memref_squeeze %dma_wait3A_81 : memref<1x128xi32, #tpu.memory_space<vmem>> -> memref<128xi32, #tpu.memory_space<vmem>>
      %dma_wait3A_83 = tpu.memref_slice %arg4[%add3A_75] : memref<163840xi32, #tpu.memory_space<hbm>> -> memref<128xi32, #tpu.memory_space<hbm>>
      tpu.wait_dma2 semaphore(%arg14 : memref<!tpu.dma_semaphore, #tpu.memory_space<semaphore_mem>>) src(%dma_wait3A_83 : memref<128xi32, #tpu.memory_space<hbm>>) dst(%dma_wait3A_82 : memref<128xi32, #tpu.memory_space<vmem>>)
      %mul3A_84 = arith.constant 128 : i32
      %mul3A_85 = arith.muli %add3A_72, %mul3A_84 : i32
      %dma_wait3A_86 = arith.constant 0 : i32
      %dma_wait3A_87 = arith.constant 0 : i32
      %dma_wait3A_88 = arith.constant 0 : i32
      %dma_wait3A_89 = tpu.memref_slice %arg8[%dma_wait3A_86, %dma_wait3A_87, %dma_wait3A_88] : memref<2x128x128xf32, #tpu.memory_space<vmem>> -> memref<1x128x128xf32, #tpu.memory_space<vmem>>
      %dma_wait3A_90 = tpu.memref_squeeze %dma_wait3A_89 : memref<1x128x128xf32, #tpu.memory_space<vmem>> -> memref<128x128xf32, #tpu.memory_space<vmem>>
      %dma_wait3A_91 = tpu.memref_slice %arg6[%mul3A_85] : memref<10240xi32, #tpu.memory_space<vmem>> -> memref<128xi32, #tpu.memory_space<vmem>>
      %dma_wait3A_92 = arith.constant 0 : i32
      %dma_wait3A_93 = arith.constant 0 : i32
      %dma_wait3A_94 = tpu.memref_slice %arg2[%dma_wait3A_92, %dma_wait3A_93] : memref<20000x128xf32, #tpu.memory_space<hbm>> -> memref<20000x128xf32, #tpu.memory_space<hbm>>
      tpu.wait_indirect_dma semaphore(%arg10 : memref<!tpu.dma_semaphore, #tpu.memory_space<semaphore_mem>>) src(%dma_wait3A_94 : memref<20000x128xf32, #tpu.memory_space<hbm>>) dst(%dma_wait3A_90 : memref<128x128xf32, #tpu.memory_space<vmem>>)
      %dma_start3A_95 = arith.constant 0 : i32
      %dma_start3A_96 = arith.constant 0 : i32
      %dma_start3A_97 = arith.constant 0 : i32
      %dma_start3A_98 = arith.constant 0 : i32
      %dma_start3A_99 = tpu.memref_slice %arg8[%dma_start3A_95, %dma_start3A_97, %dma_start3A_98] : memref<2x128x128xf32, #tpu.memory_space<vmem>> -> memref<1x128x128xf32, #tpu.memory_space<vmem>>
      %dma_start3A_100 = tpu.memref_squeeze %dma_start3A_99 : memref<1x128x128xf32, #tpu.memory_space<vmem>> -> memref<128x128xf32, #tpu.memory_space<vmem>>
      %dma_start3A_101 = arith.constant 0 : i32
      %dma_start3A_102 = tpu.memref_slice %arg7[%dma_start3A_96, %dma_start3A_101] : memref<2x128xi32, #tpu.memory_space<vmem>> -> memref<1x128xi32, #tpu.memory_space<vmem>>
      %dma_start3A_103 = tpu.memref_squeeze %dma_start3A_102 : memref<1x128xi32, #tpu.memory_space<vmem>> -> memref<128xi32, #tpu.memory_space<vmem>>
      %dma_start3A_104 = arith.constant 0 : i32
      %dma_start3A_105 = arith.constant 0 : i32
      %dma_start3A_106 = tpu.memref_slice %arg9[%dma_start3A_104, %dma_start3A_105] : memref<10008x128xf32, #tpu.memory_space<vmem_shared>> -> memref<10008x128xf32, #tpu.memory_space<vmem_shared>>
      tpu.enqueue_indirect_dma source(%dma_start3A_100 : memref<128x128xf32, #tpu.memory_space<vmem>>) target(%dma_start3A_106 : memref<10008x128xf32, #tpu.memory_space<vmem_shared>>) offsets(%dma_start3A_103 : memref<128xi32, #tpu.memory_space<vmem>>) semaphore(%arg12 : memref<!tpu.dma_semaphore, #tpu.memory_space<semaphore_mem>>) {add = true}
      %dma_wait3A_107 = arith.constant 0 : i32
      %dma_wait3A_108 = arith.constant 0 : i32
      %dma_wait3A_109 = arith.constant 0 : i32
      %dma_wait3A_110 = arith.constant 0 : i32
      %dma_wait3A_111 = tpu.memref_slice %arg8[%dma_wait3A_107, %dma_wait3A_109, %dma_wait3A_110] : memref<2x128x128xf32, #tpu.memory_space<vmem>> -> memref<1x128x128xf32, #tpu.memory_space<vmem>>
      %dma_wait3A_112 = tpu.memref_squeeze %dma_wait3A_111 : memref<1x128x128xf32, #tpu.memory_space<vmem>> -> memref<128x128xf32, #tpu.memory_space<vmem>>
      %dma_wait3A_113 = arith.constant 0 : i32
      %dma_wait3A_114 = tpu.memref_slice %arg7[%dma_wait3A_108, %dma_wait3A_113] : memref<2x128xi32, #tpu.memory_space<vmem>> -> memref<1x128xi32, #tpu.memory_space<vmem>>
      %dma_wait3A_115 = tpu.memref_squeeze %dma_wait3A_114 : memref<1x128xi32, #tpu.memory_space<vmem>> -> memref<128xi32, #tpu.memory_space<vmem>>
      %dma_wait3A_116 = arith.constant 0 : i32
      %dma_wait3A_117 = arith.constant 0 : i32
      %dma_wait3A_118 = tpu.memref_slice %arg9[%dma_wait3A_116, %dma_wait3A_117] : memref<10008x128xf32, #tpu.memory_space<vmem_shared>> -> memref<10008x128xf32, #tpu.memory_space<vmem_shared>>
      tpu.wait_indirect_dma semaphore(%arg12 : memref<!tpu.dma_semaphore, #tpu.memory_space<semaphore_mem>>) src(%dma_wait3A_112 : memref<128x128xf32, #tpu.memory_space<vmem>>) dst(%dma_wait3A_118 : memref<10008x128xf32, #tpu.memory_space<vmem_shared>>)
      %add3A_119 = arith.constant 2 : i32
      %add3A_120 = arith.addi %add3A_72, %add3A_119 : i32
      %lt3A_121 = arith.constant 80 : i32
      %lt3A_122 = arith.cmpi slt, %add3A_120, %lt3A_121 : i32
      %convert_element_type3A_123 = arith.extui %lt3A_122 : i1 to i32
      %cond3A_124 = arith.constant 0 : i32
      %cond3A_125 = arith.cmpi ne, %convert_element_type3A_123, %cond3A_124 : i32
      scf.if %cond3A_125 {
        %add3A_184 = arith.constant 2 : i32
        %add3A_185 = arith.addi %add3A_72, %add3A_184 : i32
        %mul3A_186 = arith.constant 128 : i32
        %mul3A_187 = arith.muli %add3A_185, %mul3A_186 : i32
        %add3A_188 = arith.addi %mul3A_10, %mul3A_187 : i32
        %dma_start3A_189 = arith.constant 0 : i32
        %dma_start3A_190 = arith.constant 0 : i32
        %dma_start3A_191 = tpu.memref_slice %arg7[%dma_start3A_189, %dma_start3A_190] : memref<2x128xi32, #tpu.memory_space<vmem>> -> memref<1x128xi32, #tpu.memory_space<vmem>>
        %dma_start3A_192 = tpu.memref_squeeze %dma_start3A_191 : memref<1x128xi32, #tpu.memory_space<vmem>> -> memref<128xi32, #tpu.memory_space<vmem>>
        %dma_start3A_193 = tpu.memref_slice %arg4[%add3A_188] : memref<163840xi32, #tpu.memory_space<hbm>> -> memref<128xi32, #tpu.memory_space<hbm>>
        %dma_start3A_194 = arith.constant 0 : i32
        %dma_start3A_195 = tpu.memref_slice %arg7[%dma_start3A_189, %dma_start3A_194] : memref<2x128xi32, #tpu.memory_space<vmem>> -> memref<1x128xi32, #tpu.memory_space<vmem>>
        %dma_start3A_196 = tpu.memref_squeeze %dma_start3A_195 : memref<1x128xi32, #tpu.memory_space<vmem>> -> memref<128xi32, #tpu.memory_space<vmem>>
        %dma_start3A_197 = tpu.memref_slice %arg4[%add3A_188] : memref<163840xi32, #tpu.memory_space<hbm>> -> memref<128xi32, #tpu.memory_space<hbm>>
        tpu.enqueue_dma source(%dma_start3A_197 : memref<128xi32, #tpu.memory_space<hbm>>) target(%dma_start3A_196 : memref<128xi32, #tpu.memory_space<vmem>>) target_semaphore(%arg14 : memref<!tpu.dma_semaphore, #tpu.memory_space<semaphore_mem>>)
        %add3A_198 = arith.constant 2 : i32
        %add3A_199 = arith.addi %add3A_72, %add3A_198 : i32
        %mul3A_200 = arith.constant 128 : i32
        %mul3A_201 = arith.muli %add3A_199, %mul3A_200 : i32
        %dma_start3A_202 = arith.constant 0 : i32
        %dma_start3A_203 = arith.constant 0 : i32
        %dma_start3A_204 = arith.constant 0 : i32
        %dma_start3A_205 = tpu.memref_slice %arg8[%dma_start3A_202, %dma_start3A_203, %dma_start3A_204] : memref<2x128x128xf32, #tpu.memory_space<vmem>> -> memref<1x128x128xf32, #tpu.memory_space<vmem>>
        %dma_start3A_206 = tpu.memref_squeeze %dma_start3A_205 : memref<1x128x128xf32, #tpu.memory_space<vmem>> -> memref<128x128xf32, #tpu.memory_space<vmem>>
        %dma_start3A_207 = tpu.memref_slice %arg6[%mul3A_201] : memref<10240xi32, #tpu.memory_space<vmem>> -> memref<128xi32, #tpu.memory_space<vmem>>
        %dma_start3A_208 = arith.constant 0 : i32
        %dma_start3A_209 = arith.constant 0 : i32
        %dma_start3A_210 = tpu.memref_slice %arg2[%dma_start3A_208, %dma_start3A_209] : memref<20000x128xf32, #tpu.memory_space<hbm>> -> memref<20000x128xf32, #tpu.memory_space<hbm>>
        tpu.enqueue_indirect_dma source(%dma_start3A_210 : memref<20000x128xf32, #tpu.memory_space<hbm>>) target(%dma_start3A_206 : memref<128x128xf32, #tpu.memory_space<vmem>>) offsets(%dma_start3A_207 : memref<128xi32, #tpu.memory_space<vmem>>) semaphore(%arg10 : memref<!tpu.dma_semaphore, #tpu.memory_space<semaphore_mem>>)
      } else {
      }
      %mul3A_126 = arith.constant 2 : i32
      %mul3A_127 = arith.muli %scan3A_68, %mul3A_126 : i32
      %add3A_128 = arith.constant 1 : i32
      %add3A_129 = arith.addi %mul3A_127, %add3A_128 : i32
      %mul3A_130 = arith.constant 128 : i32
      %mul3A_131 = arith.muli %add3A_129, %mul3A_130 : i32
      %add3A_132 = arith.addi %mul3A_10, %mul3A_131 : i32
      %dma_wait3A_133 = arith.constant 1 : i32
      %dma_wait3A_134 = arith.constant 0 : i32
      %dma_wait3A_135 = tpu.memref_slice %arg7[%dma_wait3A_133, %dma_wait3A_134] : memref<2x128xi32, #tpu.memory_space<vmem>> -> memref<1x128xi32, #tpu.memory_space<vmem>>
      %dma_wait3A_136 = tpu.memref_squeeze %dma_wait3A_135 : memref<1x128xi32, #tpu.memory_space<vmem>> -> memref<128xi32, #tpu.memory_space<vmem>>
      %dma_wait3A_137 = tpu.memref_slice %arg4[%add3A_132] : memref<163840xi32, #tpu.memory_space<hbm>> -> memref<128xi32, #tpu.memory_space<hbm>>
      %dma_wait3A_138 = arith.constant 0 : i32
      %dma_wait3A_139 = tpu.memref_slice %arg7[%dma_wait3A_133, %dma_wait3A_138] : memref<2x128xi32, #tpu.memory_space<vmem>> -> memref<1x128xi32, #tpu.memory_space<vmem>>
      %dma_wait3A_140 = tpu.memref_squeeze %dma_wait3A_139 : memref<1x128xi32, #tpu.memory_space<vmem>> -> memref<128xi32, #tpu.memory_space<vmem>>
      %dma_wait3A_141 = tpu.memref_slice %arg4[%add3A_132] : memref<163840xi32, #tpu.memory_space<hbm>> -> memref<128xi32, #tpu.memory_space<hbm>>
      tpu.wait_dma2 semaphore(%arg15 : memref<!tpu.dma_semaphore, #tpu.memory_space<semaphore_mem>>) src(%dma_wait3A_141 : memref<128xi32, #tpu.memory_space<hbm>>) dst(%dma_wait3A_140 : memref<128xi32, #tpu.memory_space<vmem>>)
      %mul3A_142 = arith.constant 128 : i32
      %mul3A_143 = arith.muli %add3A_129, %mul3A_142 : i32
      %dma_wait3A_144 = arith.constant 1 : i32
      %dma_wait3A_145 = arith.constant 0 : i32
      %dma_wait3A_146 = arith.constant 0 : i32
      %dma_wait3A_147 = tpu.memref_slice %arg8[%dma_wait3A_144, %dma_wait3A_145, %dma_wait3A_146] : memref<2x128x128xf32, #tpu.memory_space<vmem>> -> memref<1x128x128xf32, #tpu.memory_space<vmem>>
      %dma_wait3A_148 = tpu.memref_squeeze %dma_wait3A_147 : memref<1x128x128xf32, #tpu.memory_space<vmem>> -> memref<128x128xf32, #tpu.memory_space<vmem>>
      %dma_wait3A_149 = tpu.memref_slice %arg6[%mul3A_143] : memref<10240xi32, #tpu.memory_space<vmem>> -> memref<128xi32, #tpu.memory_space<vmem>>
      %dma_wait3A_150 = arith.constant 0 : i32
      %dma_wait3A_151 = arith.constant 0 : i32
      %dma_wait3A_152 = tpu.memref_slice %arg2[%dma_wait3A_150, %dma_wait3A_151] : memref<20000x128xf32, #tpu.memory_space<hbm>> -> memref<20000x128xf32, #tpu.memory_space<hbm>>
      tpu.wait_indirect_dma semaphore(%arg11 : memref<!tpu.dma_semaphore, #tpu.memory_space<semaphore_mem>>) src(%dma_wait3A_152 : memref<20000x128xf32, #tpu.memory_space<hbm>>) dst(%dma_wait3A_148 : memref<128x128xf32, #tpu.memory_space<vmem>>)
      %dma_start3A_153 = arith.constant 1 : i32
      %dma_start3A_154 = arith.constant 1 : i32
      %dma_start3A_155 = arith.constant 0 : i32
      %dma_start3A_156 = arith.constant 0 : i32
      %dma_start3A_157 = tpu.memref_slice %arg8[%dma_start3A_153, %dma_start3A_155, %dma_start3A_156] : memref<2x128x128xf32, #tpu.memory_space<vmem>> -> memref<1x128x128xf32, #tpu.memory_space<vmem>>
      %dma_start3A_158 = tpu.memref_squeeze %dma_start3A_157 : memref<1x128x128xf32, #tpu.memory_space<vmem>> -> memref<128x128xf32, #tpu.memory_space<vmem>>
      %dma_start3A_159 = arith.constant 0 : i32
      %dma_start3A_160 = tpu.memref_slice %arg7[%dma_start3A_154, %dma_start3A_159] : memref<2x128xi32, #tpu.memory_space<vmem>> -> memref<1x128xi32, #tpu.memory_space<vmem>>
      %dma_start3A_161 = tpu.memref_squeeze %dma_start3A_160 : memref<1x128xi32, #tpu.memory_space<vmem>> -> memref<128xi32, #tpu.memory_space<vmem>>
      %dma_start3A_162 = arith.constant 0 : i32
      %dma_start3A_163 = arith.constant 0 : i32
      %dma_start3A_164 = tpu.memref_slice %arg9[%dma_start3A_162, %dma_start3A_163] : memref<10008x128xf32, #tpu.memory_space<vmem_shared>> -> memref<10008x128xf32, #tpu.memory_space<vmem_shared>>
      tpu.enqueue_indirect_dma source(%dma_start3A_158 : memref<128x128xf32, #tpu.memory_space<vmem>>) target(%dma_start3A_164 : memref<10008x128xf32, #tpu.memory_space<vmem_shared>>) offsets(%dma_start3A_161 : memref<128xi32, #tpu.memory_space<vmem>>) semaphore(%arg13 : memref<!tpu.dma_semaphore, #tpu.memory_space<semaphore_mem>>) {add = true}
      %dma_wait3A_165 = arith.constant 1 : i32
      %dma_wait3A_166 = arith.constant 1 : i32
      %dma_wait3A_167 = arith.constant 0 : i32
      %dma_wait3A_168 = arith.constant 0 : i32
      %dma_wait3A_169 = tpu.memref_slice %arg8[%dma_wait3A_165, %dma_wait3A_167, %dma_wait3A_168] : memref<2x128x128xf32, #tpu.memory_space<vmem>> -> memref<1x128x128xf32, #tpu.memory_space<vmem>>
      %dma_wait3A_170 = tpu.memref_squeeze %dma_wait3A_169 : memref<1x128x128xf32, #tpu.memory_space<vmem>> -> memref<128x128xf32, #tpu.memory_space<vmem>>
      %dma_wait3A_171 = arith.constant 0 : i32
      %dma_wait3A_172 = tpu.memref_slice %arg7[%dma_wait3A_166, %dma_wait3A_171] : memref<2x128xi32, #tpu.memory_space<vmem>> -> memref<1x128xi32, #tpu.memory_space<vmem>>
      %dma_wait3A_173 = tpu.memref_squeeze %dma_wait3A_172 : memref<1x128xi32, #tpu.memory_space<vmem>> -> memref<128xi32, #tpu.memory_space<vmem>>
      %dma_wait3A_174 = arith.constant 0 : i32
      %dma_wait3A_175 = arith.constant 0 : i32
      %dma_wait3A_176 = tpu.memref_slice %arg9[%dma_wait3A_174, %dma_wait3A_175] : memref<10008x128xf32, #tpu.memory_space<vmem_shared>> -> memref<10008x128xf32, #tpu.memory_space<vmem_shared>>
      tpu.wait_indirect_dma semaphore(%arg13 : memref<!tpu.dma_semaphore, #tpu.memory_space<semaphore_mem>>) src(%dma_wait3A_170 : memref<128x128xf32, #tpu.memory_space<vmem>>) dst(%dma_wait3A_176 : memref<10008x128xf32, #tpu.memory_space<vmem_shared>>)
      %add3A_177 = arith.constant 2 : i32
      %add3A_178 = arith.addi %add3A_129, %add3A_177 : i32
      %lt3A_179 = arith.constant 80 : i32
      %lt3A_180 = arith.cmpi slt, %add3A_178, %lt3A_179 : i32
      %convert_element_type3A_181 = arith.extui %lt3A_180 : i1 to i32
      %cond3A_182 = arith.constant 0 : i32
      %cond3A_183 = arith.cmpi ne, %convert_element_type3A_181, %cond3A_182 : i32
      scf.if %cond3A_183 {
        %add3A_184 = arith.constant 2 : i32
        %add3A_185 = arith.addi %add3A_129, %add3A_184 : i32
        %mul3A_186 = arith.constant 128 : i32
        %mul3A_187 = arith.muli %add3A_185, %mul3A_186 : i32
        %add3A_188 = arith.addi %mul3A_10, %mul3A_187 : i32
        %dma_start3A_189 = arith.constant 1 : i32
        %dma_start3A_190 = arith.constant 0 : i32
        %dma_start3A_191 = tpu.memref_slice %arg7[%dma_start3A_189, %dma_start3A_190] : memref<2x128xi32, #tpu.memory_space<vmem>> -> memref<1x128xi32, #tpu.memory_space<vmem>>
        %dma_start3A_192 = tpu.memref_squeeze %dma_start3A_191 : memref<1x128xi32, #tpu.memory_space<vmem>> -> memref<128xi32, #tpu.memory_space<vmem>>
        %dma_start3A_193 = tpu.memref_slice %arg4[%add3A_188] : memref<163840xi32, #tpu.memory_space<hbm>> -> memref<128xi32, #tpu.memory_space<hbm>>
        %dma_start3A_194 = arith.constant 0 : i32
        %dma_start3A_195 = tpu.memref_slice %arg7[%dma_start3A_189, %dma_start3A_194] : memref<2x128xi32, #tpu.memory_space<vmem>> -> memref<1x128xi32, #tpu.memory_space<vmem>>
        %dma_start3A_196 = tpu.memref_squeeze %dma_start3A_195 : memref<1x128xi32, #tpu.memory_space<vmem>> -> memref<128xi32, #tpu.memory_space<vmem>>
        %dma_start3A_197 = tpu.memref_slice %arg4[%add3A_188] : memref<163840xi32, #tpu.memory_space<hbm>> -> memref<128xi32, #tpu.memory_space<hbm>>
        tpu.enqueue_dma source(%dma_start3A_197 : memref<128xi32, #tpu.memory_space<hbm>>) target(%dma_start3A_196 : memref<128xi32, #tpu.memory_space<vmem>>) target_semaphore(%arg15 : memref<!tpu.dma_semaphore, #tpu.memory_space<semaphore_mem>>)
        %add3A_198 = arith.constant 2 : i32
        %add3A_199 = arith.addi %add3A_129, %add3A_198 : i32
        %mul3A_200 = arith.constant 128 : i32
        %mul3A_201 = arith.muli %add3A_199, %mul3A_200 : i32
        %dma_start3A_202 = arith.constant 1 : i32
        %dma_start3A_203 = arith.constant 0 : i32
        %dma_start3A_204 = arith.constant 0 : i32
        %dma_start3A_205 = tpu.memref_slice %arg8[%dma_start3A_202, %dma_start3A_203, %dma_start3A_204] : memref<2x128x128xf32, #tpu.memory_space<vmem>> -> memref<1x128x128xf32, #tpu.memory_space<vmem>>
        %dma_start3A_206 = tpu.memref_squeeze %dma_start3A_205 : memref<1x128x128xf32, #tpu.memory_space<vmem>> -> memref<128x128xf32, #tpu.memory_space<vmem>>
        %dma_start3A_207 = tpu.memref_slice %arg6[%mul3A_201] : memref<10240xi32, #tpu.memory_space<vmem>> -> memref<128xi32, #tpu.memory_space<vmem>>
        %dma_start3A_208 = arith.constant 0 : i32
        %dma_start3A_209 = arith.constant 0 : i32
        %dma_start3A_210 = tpu.memref_slice %arg2[%dma_start3A_208, %dma_start3A_209] : memref<20000x128xf32, #tpu.memory_space<hbm>> -> memref<20000x128xf32, #tpu.memory_space<hbm>>
        tpu.enqueue_indirect_dma source(%dma_start3A_210 : memref<20000x128xf32, #tpu.memory_space<hbm>>) target(%dma_start3A_206 : memref<128x128xf32, #tpu.memory_space<vmem>>) offsets(%dma_start3A_207 : memref<128xi32, #tpu.memory_space<vmem>>) semaphore(%arg11 : memref<!tpu.dma_semaphore, #tpu.memory_space<semaphore_mem>>)
      } else {
      }
    }
    %scan3A_56 = arith.constant 40 : i32
    %barrier3A_57 = arith.constant 0 : index
    tpu.barrier barrier_id(%barrier3A_57)
    %lt3A_58 = arith.constant 15 : i32
    %lt3A_59 = arith.cmpi slt, %arg1, %lt3A_58 : i32
    %convert_element_type3A_60 = arith.extui %lt3A_59 : i1 to i32
    %cond3A_61 = arith.constant 0 : i32
    %cond3A_62 = arith.cmpi ne, %convert_element_type3A_60, %cond3A_61 : i32
    scf.if %cond3A_62 {
      %mul3A_68 = arith.constant 624 : i32
      %mul3A_69 = arith.muli %arg1, %mul3A_68 : i32
      "tpu.region"() ({
        %run_scoped3A = tpu.sem_alloc : memref<!tpu.dma_semaphore, #tpu.memory_space<semaphore_mem>>
        %dma_start3A_70 = arith.constant 0 : i32
        %dma_start3A_71 = tpu.memref_slice %arg5[%arg0, %mul3A_69, %dma_start3A_70] : memref<2x10000x128xf32, #tpu.memory_space<hbm>> -> memref<1x624x128xf32, #tpu.memory_space<hbm>>
        %dma_start3A_72 = tpu.memref_squeeze %dma_start3A_71 : memref<1x624x128xf32, #tpu.memory_space<hbm>> -> memref<624x128xf32, #tpu.memory_space<hbm>>
        %dma_start3A_73 = arith.constant 0 : i32
        %dma_start3A_74 = tpu.memref_slice %arg9[%mul3A_69, %dma_start3A_73] : memref<10008x128xf32, #tpu.memory_space<vmem_shared>> -> memref<624x128xf32, #tpu.memory_space<vmem_shared>>
        tpu.enqueue_dma source(%dma_start3A_74 : memref<624x128xf32, #tpu.memory_space<vmem_shared>>) target(%dma_start3A_72 : memref<624x128xf32, #tpu.memory_space<hbm>>) target_semaphore(%run_scoped3A : memref<!tpu.dma_semaphore, #tpu.memory_space<semaphore_mem>>)
        %dma_wait3A = arith.constant 0 : i32
        %dma_wait3A_75 = tpu.memref_slice %arg5[%arg0, %mul3A_69, %dma_wait3A] : memref<2x10000x128xf32, #tpu.memory_space<hbm>> -> memref<1x624x128xf32, #tpu.memory_space<hbm>>
        %dma_wait3A_76 = tpu.memref_squeeze %dma_wait3A_75 : memref<1x624x128xf32, #tpu.memory_space<hbm>> -> memref<624x128xf32, #tpu.memory_space<hbm>>
        %dma_wait3A_77 = arith.constant 0 : i32
        %dma_wait3A_78 = tpu.memref_slice %arg9[%mul3A_69, %dma_wait3A_77] : memref<10008x128xf32, #tpu.memory_space<vmem_shared>> -> memref<624x128xf32, #tpu.memory_space<vmem_shared>>
        tpu.wait_dma2 semaphore(%run_scoped3A : memref<!tpu.dma_semaphore, #tpu.memory_space<semaphore_mem>>) src(%dma_wait3A_78 : memref<624x128xf32, #tpu.memory_space<vmem_shared>>) dst(%dma_wait3A_76 : memref<624x128xf32, #tpu.memory_space<hbm>>)
        tpu.yield
      }) : () -> ()
    } else {
    }
    %eq3A_63 = arith.constant 15 : i32
    %eq3A_64 = arith.cmpi eq, %arg1, %eq3A_63 : i32
    %convert_element_type3A_65 = arith.extui %eq3A_64 : i1 to i32
    %cond3A_66 = arith.constant 0 : i32
    %cond3A_67 = arith.cmpi ne, %convert_element_type3A_65, %cond3A_66 : i32
    scf.if %cond3A_67 {
      "tpu.region"() ({
        %run_scoped3A = tpu.sem_alloc : memref<!tpu.dma_semaphore, #tpu.memory_space<semaphore_mem>>
        %dma_start3A_68 = arith.constant 9360 : i32
        %dma_start3A_69 = arith.constant 0 : i32
        %dma_start3A_70 = tpu.memref_slice %arg5[%arg0, %dma_start3A_68, %dma_start3A_69] : memref<2x10000x128xf32, #tpu.memory_space<hbm>> -> memref<1x640x128xf32, #tpu.memory_space<hbm>>
        %dma_start3A_71 = tpu.memref_squeeze %dma_start3A_70 : memref<1x640x128xf32, #tpu.memory_space<hbm>> -> memref<640x128xf32, #tpu.memory_space<hbm>>
        %dma_start3A_72 = arith.constant 9360 : i32
        %dma_start3A_73 = arith.constant 0 : i32
        %dma_start3A_74 = tpu.memref_slice %arg9[%dma_start3A_72, %dma_start3A_73] : memref<10008x128xf32, #tpu.memory_space<vmem_shared>> -> memref<640x128xf32, #tpu.memory_space<vmem_shared>>
        tpu.enqueue_dma source(%dma_start3A_74 : memref<640x128xf32, #tpu.memory_space<vmem_shared>>) target(%dma_start3A_71 : memref<640x128xf32, #tpu.memory_space<hbm>>) target_semaphore(%run_scoped3A : memref<!tpu.dma_semaphore, #tpu.memory_space<semaphore_mem>>)
        %dma_wait3A = arith.constant 9360 : i32
        %dma_wait3A_75 = arith.constant 0 : i32
        %dma_wait3A_76 = tpu.memref_slice %arg5[%arg0, %dma_wait3A, %dma_wait3A_75] : memref<2x10000x128xf32, #tpu.memory_space<hbm>> -> memref<1x640x128xf32, #tpu.memory_space<hbm>>
        %dma_wait3A_77 = tpu.memref_squeeze %dma_wait3A_76 : memref<1x640x128xf32, #tpu.memory_space<hbm>> -> memref<640x128xf32, #tpu.memory_space<hbm>>
        %dma_wait3A_78 = arith.constant 9360 : i32
        %dma_wait3A_79 = arith.constant 0 : i32
        %dma_wait3A_80 = tpu.memref_slice %arg9[%dma_wait3A_78, %dma_wait3A_79] : memref<10008x128xf32, #tpu.memory_space<vmem_shared>> -> memref<640x128xf32, #tpu.memory_space<vmem_shared>>
        tpu.wait_dma2 semaphore(%run_scoped3A : memref<!tpu.dma_semaphore, #tpu.memory_space<semaphore_mem>>) src(%dma_wait3A_80 : memref<640x128xf32, #tpu.memory_space<vmem_shared>>) dst(%dma_wait3A_77 : memref<640x128xf32, #tpu.memory_space<hbm>>)
        tpu.yield
      }) : () -> ()
    } else {
    }
    return
  }
}

#map = affine_map<(d0, d1) -> (0, 0)>
#map1 = affine_map<(d0, d1) -> (0)>
#map2 = affine_map<(d0, d1) -> (0, 0, 0)>
module attributes {stable_mosaic.version = 14 : i64} {
  func.func @_agg_body(%arg0: i32, %arg1: i32, %arg2: memref<20000x128xf32, #tpu.memory_space<hbm>>, %arg3: memref<327680xi32, #tpu.memory_space<hbm>>, %arg4: memref<163840xi32, #tpu.memory_space<hbm>>, %arg5: memref<2x10000x128xf32, #tpu.memory_space<hbm>>, %arg6: memref<10240xi32, #tpu.memory_space<vmem>>, %arg7: memref<2x128xi32, #tpu.memory_space<vmem>>, %arg8: memref<2x128x128xf32, #tpu.memory_space<vmem>>, %arg9: memref<10008x128xf32, #tpu.memory_space<vmem_shared>>, %arg10: memref<!tpu.dma_semaphore, #tpu.memory_space<semaphore_mem>>, %arg11: memref<!tpu.dma_semaphore, #tpu.memory_space<semaphore_mem>>, %arg12: memref<!tpu.dma_semaphore, #tpu.memory_space<semaphore_mem>>, %arg13: memref<!tpu.dma_semaphore, #tpu.memory_space<semaphore_mem>>, %arg14: memref<!tpu.dma_semaphore, #tpu.memory_space<semaphore_mem>>, %arg15: memref<!tpu.dma_semaphore, #tpu.memory_space<semaphore_mem>>) attributes {dimension_semantics = [#tpu.dimension_semantics<core_parallel>, #tpu.dimension_semantics<subcore_parallel>], iteration_bounds = array<i64: 2, 16>, scalar_prefetch = 0 : i64, scratch_operands = 10 : i64, tpu.core_type = #tpu.core_type<sc_vector_subcore>, window_params = [{transform_indices = #map}, {transform_indices = #map1}, {transform_indices = #map1}, {transform_indices = #map2}]} {
    %mul3A = arith.constant 163840 : i32
    %mul3A_0 = arith.muli %arg0, %mul3A : i32
    %mul3A_1 = arith.constant 10240 : i32
    %mul3A_2 = arith.muli %arg1, %mul3A_1 : i32
    %add3A = arith.addi %mul3A_0, %mul3A_2 : i32
    "tpu.region"() ({
      %run_scoped3A = tpu.sem_alloc : memref<!tpu.dma_semaphore, #tpu.memory_space<semaphore_mem>>
      %dma_start3A_68 = tpu.memref_slice %arg3[%add3A] : memref<327680xi32, #tpu.memory_space<hbm>> -> memref<10240xi32, #tpu.memory_space<hbm>>
      %dma_start3A_69 = tpu.memref_slice %arg3[%add3A] : memref<327680xi32, #tpu.memory_space<hbm>> -> memref<10240xi32, #tpu.memory_space<hbm>>
      tpu.enqueue_dma source(%dma_start3A_69 : memref<10240xi32, #tpu.memory_space<hbm>>) target(%arg6 : memref<10240xi32, #tpu.memory_space<vmem>>) target_semaphore(%run_scoped3A : memref<!tpu.dma_semaphore, #tpu.memory_space<semaphore_mem>>)
      %dma_wait3A = tpu.memref_slice %arg3[%add3A] : memref<327680xi32, #tpu.memory_space<hbm>> -> memref<10240xi32, #tpu.memory_space<hbm>>
      %dma_wait3A_70 = tpu.memref_slice %arg3[%add3A] : memref<327680xi32, #tpu.memory_space<hbm>> -> memref<10240xi32, #tpu.memory_space<hbm>>
      tpu.wait_dma2 semaphore(%run_scoped3A : memref<!tpu.dma_semaphore, #tpu.memory_space<semaphore_mem>>) src(%dma_wait3A_70 : memref<10240xi32, #tpu.memory_space<hbm>>) dst(%arg6 : memref<10240xi32, #tpu.memory_space<vmem>>)
      tpu.yield
    }) : () -> ()
    %lt3A = arith.constant 15 : i32
    %lt3A_3 = arith.cmpi slt, %arg1, %lt3A : i32
    %convert_element_type3A = arith.extui %lt3A_3 : i1 to i32
    %cond3A = arith.constant 0 : i32
    %cond3A_4 = arith.cmpi ne, %convert_element_type3A, %cond3A : i32
    scf.if %cond3A_4 {
      %mul3A_68 = arith.constant 624 : i32
      %mul3A_69 = arith.muli %arg1, %mul3A_68 : i32
      %mul3A_70 = arith.constant 10000 : i32
      %mul3A_71 = arith.muli %arg0, %mul3A_70 : i32
      %add3A_72 = arith.addi %mul3A_71, %mul3A_69 : i32
      "tpu.region"() ({
        %run_scoped3A = tpu.sem_alloc : memref<!tpu.dma_semaphore, #tpu.memory_space<semaphore_mem>>
        %dma_start3A_73 = arith.constant 0 : i32
        %dma_start3A_74 = tpu.memref_slice %arg9[%mul3A_69, %dma_start3A_73] : memref<10008x128xf32, #tpu.memory_space<vmem_shared>> -> memref<624x128xf32, #tpu.memory_space<vmem_shared>>
        %dma_start3A_75 = arith.constant 0 : i32
        %dma_start3A_76 = tpu.memref_slice %arg2[%add3A_72, %dma_start3A_75] : memref<20000x128xf32, #tpu.memory_space<hbm>> -> memref<624x128xf32, #tpu.memory_space<hbm>>
        tpu.enqueue_dma source(%dma_start3A_76 : memref<624x128xf32, #tpu.memory_space<hbm>>) target(%dma_start3A_74 : memref<624x128xf32, #tpu.memory_space<vmem_shared>>) target_semaphore(%run_scoped3A : memref<!tpu.dma_semaphore, #tpu.memory_space<semaphore_mem>>)
        %dma_wait3A = arith.constant 0 : i32
        %dma_wait3A_77 = tpu.memref_slice %arg9[%mul3A_69, %dma_wait3A] : memref<10008x128xf32, #tpu.memory_space<vmem_shared>> -> memref<624x128xf32, #tpu.memory_space<vmem_shared>>
        %dma_wait3A_78 = arith.constant 0 : i32
        %dma_wait3A_79 = tpu.memref_slice %arg2[%add3A_72, %dma_wait3A_78] : memref<20000x128xf32, #tpu.memory_space<hbm>> -> memref<624x128xf32, #tpu.memory_space<hbm>>
        tpu.wait_dma2 semaphore(%run_scoped3A : memref<!tpu.dma_semaphore, #tpu.memory_space<semaphore_mem>>) src(%dma_wait3A_79 : memref<624x128xf32, #tpu.memory_space<hbm>>) dst(%dma_wait3A_77 : memref<624x128xf32, #tpu.memory_space<vmem_shared>>)
        tpu.yield
      }) : () -> ()
    } else {
    }
    %eq3A = arith.constant 15 : i32
    %eq3A_5 = arith.cmpi eq, %arg1, %eq3A : i32
    %convert_element_type3A_6 = arith.extui %eq3A_5 : i1 to i32
    %cond3A_7 = arith.constant 0 : i32
    %cond3A_8 = arith.cmpi ne, %convert_element_type3A_6, %cond3A_7 : i32
    scf.if %cond3A_8 {
      %mul3A_68 = arith.constant 10000 : i32
      %mul3A_69 = arith.muli %arg0, %mul3A_68 : i32
      %add3A_70 = arith.constant 9360 : i32
      %add3A_71 = arith.addi %mul3A_69, %add3A_70 : i32
      "tpu.region"() ({
        %run_scoped3A = tpu.sem_alloc : memref<!tpu.dma_semaphore, #tpu.memory_space<semaphore_mem>>
        %dma_start3A_72 = arith.constant 9360 : i32
        %dma_start3A_73 = arith.constant 0 : i32
        %dma_start3A_74 = tpu.memref_slice %arg9[%dma_start3A_72, %dma_start3A_73] : memref<10008x128xf32, #tpu.memory_space<vmem_shared>> -> memref<640x128xf32, #tpu.memory_space<vmem_shared>>
        %dma_start3A_75 = arith.constant 0 : i32
        %dma_start3A_76 = tpu.memref_slice %arg2[%add3A_71, %dma_start3A_75] : memref<20000x128xf32, #tpu.memory_space<hbm>> -> memref<640x128xf32, #tpu.memory_space<hbm>>
        tpu.enqueue_dma source(%dma_start3A_76 : memref<640x128xf32, #tpu.memory_space<hbm>>) target(%dma_start3A_74 : memref<640x128xf32, #tpu.memory_space<vmem_shared>>) target_semaphore(%run_scoped3A : memref<!tpu.dma_semaphore, #tpu.memory_space<semaphore_mem>>)
        %dma_wait3A = arith.constant 9360 : i32
        %dma_wait3A_77 = arith.constant 0 : i32
        %dma_wait3A_78 = tpu.memref_slice %arg9[%dma_wait3A, %dma_wait3A_77] : memref<10008x128xf32, #tpu.memory_space<vmem_shared>> -> memref<640x128xf32, #tpu.memory_space<vmem_shared>>
        %dma_wait3A_79 = arith.constant 0 : i32
        %dma_wait3A_80 = tpu.memref_slice %arg2[%add3A_71, %dma_wait3A_79] : memref<20000x128xf32, #tpu.memory_space<hbm>> -> memref<640x128xf32, #tpu.memory_space<hbm>>
        tpu.wait_dma2 semaphore(%run_scoped3A : memref<!tpu.dma_semaphore, #tpu.memory_space<semaphore_mem>>) src(%dma_wait3A_80 : memref<640x128xf32, #tpu.memory_space<hbm>>) dst(%dma_wait3A_78 : memref<640x128xf32, #tpu.memory_space<vmem_shared>>)
        tpu.yield
      }) : () -> ()
    } else {
    }
    %barrier3A = arith.constant 0 : index
    tpu.barrier barrier_id(%barrier3A)
    %mul3A_9 = arith.constant 10240 : i32
    %mul3A_10 = arith.muli %arg1, %mul3A_9 : i32
    %add3A_11 = arith.constant 0 : i32
    %add3A_12 = arith.addi %mul3A_10, %add3A_11 : i32
    %dma_start3A = arith.constant 0 : i32
    %dma_start3A_13 = arith.constant 0 : i32
    %dma_start3A_14 = tpu.memref_slice %arg7[%dma_start3A, %dma_start3A_13] : memref<2x128xi32, #tpu.memory_space<vmem>> -> memref<1x128xi32, #tpu.memory_space<vmem>>
    %dma_start3A_15 = tpu.memref_squeeze %dma_start3A_14 : memref<1x128xi32, #tpu.memory_space<vmem>> -> memref<128xi32, #tpu.memory_space<vmem>>
    %dma_start3A_16 = tpu.memref_slice %arg4[%add3A_12] : memref<163840xi32, #tpu.memory_space<hbm>> -> memref<128xi32, #tpu.memory_space<hbm>>
    %dma_start3A_17 = arith.constant 0 : i32
    %dma_start3A_18 = tpu.memref_slice %arg7[%dma_start3A, %dma_start3A_17] : memref<2x128xi32, #tpu.memory_space<vmem>> -> memref<1x128xi32, #tpu.memory_space<vmem>>
    %dma_start3A_19 = tpu.memref_squeeze %dma_start3A_18 : memref<1x128xi32, #tpu.memory_space<vmem>> -> memref<128xi32, #tpu.memory_space<vmem>>
    %dma_start3A_20 = tpu.memref_slice %arg4[%add3A_12] : memref<163840xi32, #tpu.memory_space<hbm>> -> memref<128xi32, #tpu.memory_space<hbm>>
    tpu.enqueue_dma source(%dma_start3A_20 : memref<128xi32, #tpu.memory_space<hbm>>) target(%dma_start3A_19 : memref<128xi32, #tpu.memory_space<vmem>>) target_semaphore(%arg14 : memref<!tpu.dma_semaphore, #tpu.memory_space<semaphore_mem>>)
    %dma_start3A_21 = arith.constant 0 : i32
    %dma_start3A_22 = arith.constant 0 : i32
    %dma_start3A_23 = arith.constant 0 : i32
    %dma_start3A_24 = tpu.memref_slice %arg8[%dma_start3A_21, %dma_start3A_22, %dma_start3A_23] : memref<2x128x128xf32, #tpu.memory_space<vmem>> -> memref<1x128x128xf32, #tpu.memory_space<vmem>>
    %dma_start3A_25 = tpu.memref_squeeze %dma_start3A_24 : memref<1x128x128xf32, #tpu.memory_space<vmem>> -> memref<128x128xf32, #tpu.memory_space<vmem>>
    %dma_start3A_26 = arith.constant 0 : i32
    %dma_start3A_27 = tpu.memref_slice %arg6[%dma_start3A_26] : memref<10240xi32, #tpu.memory_space<vmem>> -> memref<128xi32, #tpu.memory_space<vmem>>
    %dma_start3A_28 = arith.constant 0 : i32
    %dma_start3A_29 = arith.constant 0 : i32
    %dma_start3A_30 = tpu.memref_slice %arg2[%dma_start3A_28, %dma_start3A_29] : memref<20000x128xf32, #tpu.memory_space<hbm>> -> memref<20000x128xf32, #tpu.memory_space<hbm>>
    tpu.enqueue_indirect_dma source(%dma_start3A_30 : memref<20000x128xf32, #tpu.memory_space<hbm>>) target(%dma_start3A_25 : memref<128x128xf32, #tpu.memory_space<vmem>>) offsets(%dma_start3A_27 : memref<128xi32, #tpu.memory_space<vmem>>) semaphore(%arg10 : memref<!tpu.dma_semaphore, #tpu.memory_space<semaphore_mem>>)
    %add3A_31 = arith.constant 128 : i32
    %add3A_32 = arith.addi %mul3A_10, %add3A_31 : i32
    %dma_start3A_33 = arith.constant 1 : i32
    %dma_start3A_34 = arith.constant 0 : i32
    %dma_start3A_35 = tpu.memref_slice %arg7[%dma_start3A_33, %dma_start3A_34] : memref<2x128xi32, #tpu.memory_space<vmem>> -> memref<1x128xi32, #tpu.memory_space<vmem>>
    %dma_start3A_36 = tpu.memref_squeeze %dma_start3A_35 : memref<1x128xi32, #tpu.memory_space<vmem>> -> memref<128xi32, #tpu.memory_space<vmem>>
    %dma_start3A_37 = tpu.memref_slice %arg4[%add3A_32] : memref<163840xi32, #tpu.memory_space<hbm>> -> memref<128xi32, #tpu.memory_space<hbm>>
    %dma_start3A_38 = arith.constant 0 : i32
    %dma_start3A_39 = tpu.memref_slice %arg7[%dma_start3A_33, %dma_start3A_38] : memref<2x128xi32, #tpu.memory_space<vmem>> -> memref<1x128xi32, #tpu.memory_space<vmem>>
    %dma_start3A_40 = tpu.memref_squeeze %dma_start3A_39 : memref<1x128xi32, #tpu.memory_space<vmem>> -> memref<128xi32, #tpu.memory_space<vmem>>
    %dma_start3A_41 = tpu.memref_slice %arg4[%add3A_32] : memref<163840xi32, #tpu.memory_space<hbm>> -> memref<128xi32, #tpu.memory_space<hbm>>
    tpu.enqueue_dma source(%dma_start3A_41 : memref<128xi32, #tpu.memory_space<hbm>>) target(%dma_start3A_40 : memref<128xi32, #tpu.memory_space<vmem>>) target_semaphore(%arg15 : memref<!tpu.dma_semaphore, #tpu.memory_space<semaphore_mem>>)
    %dma_start3A_42 = arith.constant 1 : i32
    %dma_start3A_43 = arith.constant 0 : i32
    %dma_start3A_44 = arith.constant 0 : i32
    %dma_start3A_45 = tpu.memref_slice %arg8[%dma_start3A_42, %dma_start3A_43, %dma_start3A_44] : memref<2x128x128xf32, #tpu.memory_space<vmem>> -> memref<1x128x128xf32, #tpu.memory_space<vmem>>
    %dma_start3A_46 = tpu.memref_squeeze %dma_start3A_45 : memref<1x128x128xf32, #tpu.memory_space<vmem>> -> memref<128x128xf32, #tpu.memory_space<vmem>>
    %dma_start3A_47 = arith.constant 128 : i32
    %dma_start3A_48 = tpu.memref_slice %arg6[%dma_start3A_47] : memref<10240xi32, #tpu.memory_space<vmem>> -> memref<128xi32, #tpu.memory_space<vmem>>
    %dma_start3A_49 = arith.constant 0 : i32
    %dma_start3A_50 = arith.constant 0 : i32
    %dma_start3A_51 = tpu.memref_slice %arg2[%dma_start3A_49, %dma_start3A_50] : memref<20000x128xf32, #tpu.memory_space<hbm>> -> memref<20000x128xf32, #tpu.memory_space<hbm>>
    tpu.enqueue_indirect_dma source(%dma_start3A_51 : memref<20000x128xf32, #tpu.memory_space<hbm>>) target(%dma_start3A_46 : memref<128x128xf32, #tpu.memory_space<vmem>>) offsets(%dma_start3A_48 : memref<128xi32, #tpu.memory_space<vmem>>) semaphore(%arg11 : memref<!tpu.dma_semaphore, #tpu.memory_space<semaphore_mem>>)
    %scan3A = arith.constant 0 : i32
    %scan3A_52 = arith.constant 0 : i32
    %scan3A_53 = arith.constant 40 : i32
    %scan3A_54 = arith.addi %scan3A_52, %scan3A_53 : i32
    %scan3A_55 = arith.constant 1 : i32
    scf.for %scan3A_68 = %scan3A_52 to %scan3A_54 step %scan3A_55  : i32 {
      %mul3A_69 = arith.constant 2 : i32
      %mul3A_70 = arith.muli %scan3A_68, %mul3A_69 : i32
      %add3A_71 = arith.constant 0 : i32
      %add3A_72 = arith.addi %mul3A_70, %add3A_71 : i32
      %mul3A_73 = arith.constant 128 : i32
      %mul3A_74 = arith.muli %add3A_72, %mul3A_73 : i32
      %add3A_75 = arith.addi %mul3A_10, %mul3A_74 : i32
      %dma_wait3A = arith.constant 0 : i32
      %dma_wait3A_76 = arith.constant 0 : i32
      %dma_wait3A_77 = tpu.memref_slice %arg7[%dma_wait3A, %dma_wait3A_76] : memref<2x128xi32, #tpu.memory_space<vmem>> -> memref<1x128xi32, #tpu.memory_space<vmem>>
      %dma_wait3A_78 = tpu.memref_squeeze %dma_wait3A_77 : memref<1x128xi32, #tpu.memory_space<vmem>> -> memref<128xi32, #tpu.memory_space<vmem>>
      %dma_wait3A_79 = tpu.memref_slice %arg4[%add3A_75] : memref<163840xi32, #tpu.memory_space<hbm>> -> memref<128xi32, #tpu.memory_space<hbm>>
      %dma_wait3A_80 = arith.constant 0 : i32
      %dma_wait3A_81 = tpu.memref_slice %arg7[%dma_wait3A, %dma_wait3A_80] : memref<2x128xi32, #tpu.memory_space<vmem>> -> memref<1x128xi32, #tpu.memory_space<vmem>>
      %dma_wait3A_82 = tpu.memref_squeeze %dma_wait3A_81 : memref<1x128xi32, #tpu.memory_space<vmem>> -> memref<128xi32, #tpu.memory_space<vmem>>
      %dma_wait3A_83 = tpu.memref_slice %arg4[%add3A_75] : memref<163840xi32, #tpu.memory_space<hbm>> -> memref<128xi32, #tpu.memory_space<hbm>>
      tpu.wait_dma2 semaphore(%arg14 : memref<!tpu.dma_semaphore, #tpu.memory_space<semaphore_mem>>) src(%dma_wait3A_83 : memref<128xi32, #tpu.memory_space<hbm>>) dst(%dma_wait3A_82 : memref<128xi32, #tpu.memory_space<vmem>>)
      %mul3A_84 = arith.constant 128 : i32
      %mul3A_85 = arith.muli %add3A_72, %mul3A_84 : i32
      %dma_wait3A_86 = arith.constant 0 : i32
      %dma_wait3A_87 = arith.constant 0 : i32
      %dma_wait3A_88 = arith.constant 0 : i32
      %dma_wait3A_89 = tpu.memref_slice %arg8[%dma_wait3A_86, %dma_wait3A_87, %dma_wait3A_88] : memref<2x128x128xf32, #tpu.memory_space<vmem>> -> memref<1x128x128xf32, #tpu.memory_space<vmem>>
      %dma_wait3A_90 = tpu.memref_squeeze %dma_wait3A_89 : memref<1x128x128xf32, #tpu.memory_space<vmem>> -> memref<128x128xf32, #tpu.memory_space<vmem>>
      %dma_wait3A_91 = tpu.memref_slice %arg6[%mul3A_85] : memref<10240xi32, #tpu.memory_space<vmem>> -> memref<128xi32, #tpu.memory_space<vmem>>
      %dma_wait3A_92 = arith.constant 0 : i32
      %dma_wait3A_93 = arith.constant 0 : i32
      %dma_wait3A_94 = tpu.memref_slice %arg2[%dma_wait3A_92, %dma_wait3A_93] : memref<20000x128xf32, #tpu.memory_space<hbm>> -> memref<20000x128xf32, #tpu.memory_space<hbm>>
      tpu.wait_indirect_dma semaphore(%arg10 : memref<!tpu.dma_semaphore, #tpu.memory_space<semaphore_mem>>) src(%dma_wait3A_94 : memref<20000x128xf32, #tpu.memory_space<hbm>>) dst(%dma_wait3A_90 : memref<128x128xf32, #tpu.memory_space<vmem>>)
      %dma_start3A_95 = arith.constant 0 : i32
      %dma_start3A_96 = arith.constant 0 : i32
      %dma_start3A_97 = arith.constant 0 : i32
      %dma_start3A_98 = arith.constant 0 : i32
      %dma_start3A_99 = tpu.memref_slice %arg8[%dma_start3A_95, %dma_start3A_97, %dma_start3A_98] : memref<2x128x128xf32, #tpu.memory_space<vmem>> -> memref<1x128x128xf32, #tpu.memory_space<vmem>>
      %dma_start3A_100 = tpu.memref_squeeze %dma_start3A_99 : memref<1x128x128xf32, #tpu.memory_space<vmem>> -> memref<128x128xf32, #tpu.memory_space<vmem>>
      %dma_start3A_101 = arith.constant 0 : i32
      %dma_start3A_102 = tpu.memref_slice %arg7[%dma_start3A_96, %dma_start3A_101] : memref<2x128xi32, #tpu.memory_space<vmem>> -> memref<1x128xi32, #tpu.memory_space<vmem>>
      %dma_start3A_103 = tpu.memref_squeeze %dma_start3A_102 : memref<1x128xi32, #tpu.memory_space<vmem>> -> memref<128xi32, #tpu.memory_space<vmem>>
      %dma_start3A_104 = arith.constant 0 : i32
      %dma_start3A_105 = arith.constant 0 : i32
      %dma_start3A_106 = tpu.memref_slice %arg9[%dma_start3A_104, %dma_start3A_105] : memref<10008x128xf32, #tpu.memory_space<vmem_shared>> -> memref<10008x128xf32, #tpu.memory_space<vmem_shared>>
      tpu.enqueue_indirect_dma source(%dma_start3A_100 : memref<128x128xf32, #tpu.memory_space<vmem>>) target(%dma_start3A_106 : memref<10008x128xf32, #tpu.memory_space<vmem_shared>>) offsets(%dma_start3A_103 : memref<128xi32, #tpu.memory_space<vmem>>) semaphore(%arg12 : memref<!tpu.dma_semaphore, #tpu.memory_space<semaphore_mem>>) {add = true}
      %dma_wait3A_107 = arith.constant 0 : i32
      %dma_wait3A_108 = arith.constant 0 : i32
      %dma_wait3A_109 = arith.constant 0 : i32
      %dma_wait3A_110 = arith.constant 0 : i32
      %dma_wait3A_111 = tpu.memref_slice %arg8[%dma_wait3A_107, %dma_wait3A_109, %dma_wait3A_110] : memref<2x128x128xf32, #tpu.memory_space<vmem>> -> memref<1x128x128xf32, #tpu.memory_space<vmem>>
      %dma_wait3A_112 = tpu.memref_squeeze %dma_wait3A_111 : memref<1x128x128xf32, #tpu.memory_space<vmem>> -> memref<128x128xf32, #tpu.memory_space<vmem>>
      %dma_wait3A_113 = arith.constant 0 : i32
      %dma_wait3A_114 = tpu.memref_slice %arg7[%dma_wait3A_108, %dma_wait3A_113] : memref<2x128xi32, #tpu.memory_space<vmem>> -> memref<1x128xi32, #tpu.memory_space<vmem>>
      %dma_wait3A_115 = tpu.memref_squeeze %dma_wait3A_114 : memref<1x128xi32, #tpu.memory_space<vmem>> -> memref<128xi32, #tpu.memory_space<vmem>>
      %dma_wait3A_116 = arith.constant 0 : i32
      %dma_wait3A_117 = arith.constant 0 : i32
      %dma_wait3A_118 = tpu.memref_slice %arg9[%dma_wait3A_116, %dma_wait3A_117] : memref<10008x128xf32, #tpu.memory_space<vmem_shared>> -> memref<10008x128xf32, #tpu.memory_space<vmem_shared>>
      tpu.wait_indirect_dma semaphore(%arg12 : memref<!tpu.dma_semaphore, #tpu.memory_space<semaphore_mem>>) src(%dma_wait3A_112 : memref<128x128xf32, #tpu.memory_space<vmem>>) dst(%dma_wait3A_118 : memref<10008x128xf32, #tpu.memory_space<vmem_shared>>)
      %add3A_119 = arith.constant 2 : i32
      %add3A_120 = arith.addi %add3A_72, %add3A_119 : i32
      %lt3A_121 = arith.constant 80 : i32
      %lt3A_122 = arith.cmpi slt, %add3A_120, %lt3A_121 : i32
      %convert_element_type3A_123 = arith.extui %lt3A_122 : i1 to i32
      %cond3A_124 = arith.constant 0 : i32
      %cond3A_125 = arith.cmpi ne, %convert_element_type3A_123, %cond3A_124 : i32
      scf.if %cond3A_125 {
        %add3A_184 = arith.constant 2 : i32
        %add3A_185 = arith.addi %add3A_72, %add3A_184 : i32
        %mul3A_186 = arith.constant 128 : i32
        %mul3A_187 = arith.muli %add3A_185, %mul3A_186 : i32
        %add3A_188 = arith.addi %mul3A_10, %mul3A_187 : i32
        %dma_start3A_189 = arith.constant 0 : i32
        %dma_start3A_190 = arith.constant 0 : i32
        %dma_start3A_191 = tpu.memref_slice %arg7[%dma_start3A_189, %dma_start3A_190] : memref<2x128xi32, #tpu.memory_space<vmem>> -> memref<1x128xi32, #tpu.memory_space<vmem>>
        %dma_start3A_192 = tpu.memref_squeeze %dma_start3A_191 : memref<1x128xi32, #tpu.memory_space<vmem>> -> memref<128xi32, #tpu.memory_space<vmem>>
        %dma_start3A_193 = tpu.memref_slice %arg4[%add3A_188] : memref<163840xi32, #tpu.memory_space<hbm>> -> memref<128xi32, #tpu.memory_space<hbm>>
        %dma_start3A_194 = arith.constant 0 : i32
        %dma_start3A_195 = tpu.memref_slice %arg7[%dma_start3A_189, %dma_start3A_194] : memref<2x128xi32, #tpu.memory_space<vmem>> -> memref<1x128xi32, #tpu.memory_space<vmem>>
        %dma_start3A_196 = tpu.memref_squeeze %dma_start3A_195 : memref<1x128xi32, #tpu.memory_space<vmem>> -> memref<128xi32, #tpu.memory_space<vmem>>
        %dma_start3A_197 = tpu.memref_slice %arg4[%add3A_188] : memref<163840xi32, #tpu.memory_space<hbm>> -> memref<128xi32, #tpu.memory_space<hbm>>
        tpu.enqueue_dma source(%dma_start3A_197 : memref<128xi32, #tpu.memory_space<hbm>>) target(%dma_start3A_196 : memref<128xi32, #tpu.memory_space<vmem>>) target_semaphore(%arg14 : memref<!tpu.dma_semaphore, #tpu.memory_space<semaphore_mem>>)
        %add3A_198 = arith.constant 2 : i32
        %add3A_199 = arith.addi %add3A_72, %add3A_198 : i32
        %mul3A_200 = arith.constant 128 : i32
        %mul3A_201 = arith.muli %add3A_199, %mul3A_200 : i32
        %dma_start3A_202 = arith.constant 0 : i32
        %dma_start3A_203 = arith.constant 0 : i32
        %dma_start3A_204 = arith.constant 0 : i32
        %dma_start3A_205 = tpu.memref_slice %arg8[%dma_start3A_202, %dma_start3A_203, %dma_start3A_204] : memref<2x128x128xf32, #tpu.memory_space<vmem>> -> memref<1x128x128xf32, #tpu.memory_space<vmem>>
        %dma_start3A_206 = tpu.memref_squeeze %dma_start3A_205 : memref<1x128x128xf32, #tpu.memory_space<vmem>> -> memref<128x128xf32, #tpu.memory_space<vmem>>
        %dma_start3A_207 = tpu.memref_slice %arg6[%mul3A_201] : memref<10240xi32, #tpu.memory_space<vmem>> -> memref<128xi32, #tpu.memory_space<vmem>>
        %dma_start3A_208 = arith.constant 0 : i32
        %dma_start3A_209 = arith.constant 0 : i32
        %dma_start3A_210 = tpu.memref_slice %arg2[%dma_start3A_208, %dma_start3A_209] : memref<20000x128xf32, #tpu.memory_space<hbm>> -> memref<20000x128xf32, #tpu.memory_space<hbm>>
        tpu.enqueue_indirect_dma source(%dma_start3A_210 : memref<20000x128xf32, #tpu.memory_space<hbm>>) target(%dma_start3A_206 : memref<128x128xf32, #tpu.memory_space<vmem>>) offsets(%dma_start3A_207 : memref<128xi32, #tpu.memory_space<vmem>>) semaphore(%arg10 : memref<!tpu.dma_semaphore, #tpu.memory_space<semaphore_mem>>)
      } else {
      }
      %mul3A_126 = arith.constant 2 : i32
      %mul3A_127 = arith.muli %scan3A_68, %mul3A_126 : i32
      %add3A_128 = arith.constant 1 : i32
      %add3A_129 = arith.addi %mul3A_127, %add3A_128 : i32
      %mul3A_130 = arith.constant 128 : i32
      %mul3A_131 = arith.muli %add3A_129, %mul3A_130 : i32
      %add3A_132 = arith.addi %mul3A_10, %mul3A_131 : i32
      %dma_wait3A_133 = arith.constant 1 : i32
      %dma_wait3A_134 = arith.constant 0 : i32
      %dma_wait3A_135 = tpu.memref_slice %arg7[%dma_wait3A_133, %dma_wait3A_134] : memref<2x128xi32, #tpu.memory_space<vmem>> -> memref<1x128xi32, #tpu.memory_space<vmem>>
      %dma_wait3A_136 = tpu.memref_squeeze %dma_wait3A_135 : memref<1x128xi32, #tpu.memory_space<vmem>> -> memref<128xi32, #tpu.memory_space<vmem>>
      %dma_wait3A_137 = tpu.memref_slice %arg4[%add3A_132] : memref<163840xi32, #tpu.memory_space<hbm>> -> memref<128xi32, #tpu.memory_space<hbm>>
      %dma_wait3A_138 = arith.constant 0 : i32
      %dma_wait3A_139 = tpu.memref_slice %arg7[%dma_wait3A_133, %dma_wait3A_138] : memref<2x128xi32, #tpu.memory_space<vmem>> -> memref<1x128xi32, #tpu.memory_space<vmem>>
      %dma_wait3A_140 = tpu.memref_squeeze %dma_wait3A_139 : memref<1x128xi32, #tpu.memory_space<vmem>> -> memref<128xi32, #tpu.memory_space<vmem>>
      %dma_wait3A_141 = tpu.memref_slice %arg4[%add3A_132] : memref<163840xi32, #tpu.memory_space<hbm>> -> memref<128xi32, #tpu.memory_space<hbm>>
      tpu.wait_dma2 semaphore(%arg15 : memref<!tpu.dma_semaphore, #tpu.memory_space<semaphore_mem>>) src(%dma_wait3A_141 : memref<128xi32, #tpu.memory_space<hbm>>) dst(%dma_wait3A_140 : memref<128xi32, #tpu.memory_space<vmem>>)
      %mul3A_142 = arith.constant 128 : i32
      %mul3A_143 = arith.muli %add3A_129, %mul3A_142 : i32
      %dma_wait3A_144 = arith.constant 1 : i32
      %dma_wait3A_145 = arith.constant 0 : i32
      %dma_wait3A_146 = arith.constant 0 : i32
      %dma_wait3A_147 = tpu.memref_slice %arg8[%dma_wait3A_144, %dma_wait3A_145, %dma_wait3A_146] : memref<2x128x128xf32, #tpu.memory_space<vmem>> -> memref<1x128x128xf32, #tpu.memory_space<vmem>>
      %dma_wait3A_148 = tpu.memref_squeeze %dma_wait3A_147 : memref<1x128x128xf32, #tpu.memory_space<vmem>> -> memref<128x128xf32, #tpu.memory_space<vmem>>
      %dma_wait3A_149 = tpu.memref_slice %arg6[%mul3A_143] : memref<10240xi32, #tpu.memory_space<vmem>> -> memref<128xi32, #tpu.memory_space<vmem>>
      %dma_wait3A_150 = arith.constant 0 : i32
      %dma_wait3A_151 = arith.constant 0 : i32
      %dma_wait3A_152 = tpu.memref_slice %arg2[%dma_wait3A_150, %dma_wait3A_151] : memref<20000x128xf32, #tpu.memory_space<hbm>> -> memref<20000x128xf32, #tpu.memory_space<hbm>>
      tpu.wait_indirect_dma semaphore(%arg11 : memref<!tpu.dma_semaphore, #tpu.memory_space<semaphore_mem>>) src(%dma_wait3A_152 : memref<20000x128xf32, #tpu.memory_space<hbm>>) dst(%dma_wait3A_148 : memref<128x128xf32, #tpu.memory_space<vmem>>)
      %dma_start3A_153 = arith.constant 1 : i32
      %dma_start3A_154 = arith.constant 1 : i32
      %dma_start3A_155 = arith.constant 0 : i32
      %dma_start3A_156 = arith.constant 0 : i32
      %dma_start3A_157 = tpu.memref_slice %arg8[%dma_start3A_153, %dma_start3A_155, %dma_start3A_156] : memref<2x128x128xf32, #tpu.memory_space<vmem>> -> memref<1x128x128xf32, #tpu.memory_space<vmem>>
      %dma_start3A_158 = tpu.memref_squeeze %dma_start3A_157 : memref<1x128x128xf32, #tpu.memory_space<vmem>> -> memref<128x128xf32, #tpu.memory_space<vmem>>
      %dma_start3A_159 = arith.constant 0 : i32
      %dma_start3A_160 = tpu.memref_slice %arg7[%dma_start3A_154, %dma_start3A_159] : memref<2x128xi32, #tpu.memory_space<vmem>> -> memref<1x128xi32, #tpu.memory_space<vmem>>
      %dma_start3A_161 = tpu.memref_squeeze %dma_start3A_160 : memref<1x128xi32, #tpu.memory_space<vmem>> -> memref<128xi32, #tpu.memory_space<vmem>>
      %dma_start3A_162 = arith.constant 0 : i32
      %dma_start3A_163 = arith.constant 0 : i32
      %dma_start3A_164 = tpu.memref_slice %arg9[%dma_start3A_162, %dma_start3A_163] : memref<10008x128xf32, #tpu.memory_space<vmem_shared>> -> memref<10008x128xf32, #tpu.memory_space<vmem_shared>>
      tpu.enqueue_indirect_dma source(%dma_start3A_158 : memref<128x128xf32, #tpu.memory_space<vmem>>) target(%dma_start3A_164 : memref<10008x128xf32, #tpu.memory_space<vmem_shared>>) offsets(%dma_start3A_161 : memref<128xi32, #tpu.memory_space<vmem>>) semaphore(%arg13 : memref<!tpu.dma_semaphore, #tpu.memory_space<semaphore_mem>>) {add = true}
      %dma_wait3A_165 = arith.constant 1 : i32
      %dma_wait3A_166 = arith.constant 1 : i32
      %dma_wait3A_167 = arith.constant 0 : i32
      %dma_wait3A_168 = arith.constant 0 : i32
      %dma_wait3A_169 = tpu.memref_slice %arg8[%dma_wait3A_165, %dma_wait3A_167, %dma_wait3A_168] : memref<2x128x128xf32, #tpu.memory_space<vmem>> -> memref<1x128x128xf32, #tpu.memory_space<vmem>>
      %dma_wait3A_170 = tpu.memref_squeeze %dma_wait3A_169 : memref<1x128x128xf32, #tpu.memory_space<vmem>> -> memref<128x128xf32, #tpu.memory_space<vmem>>
      %dma_wait3A_171 = arith.constant 0 : i32
      %dma_wait3A_172 = tpu.memref_slice %arg7[%dma_wait3A_166, %dma_wait3A_171] : memref<2x128xi32, #tpu.memory_space<vmem>> -> memref<1x128xi32, #tpu.memory_space<vmem>>
      %dma_wait3A_173 = tpu.memref_squeeze %dma_wait3A_172 : memref<1x128xi32, #tpu.memory_space<vmem>> -> memref<128xi32, #tpu.memory_space<vmem>>
      %dma_wait3A_174 = arith.constant 0 : i32
      %dma_wait3A_175 = arith.constant 0 : i32
      %dma_wait3A_176 = tpu.memref_slice %arg9[%dma_wait3A_174, %dma_wait3A_175] : memref<10008x128xf32, #tpu.memory_space<vmem_shared>> -> memref<10008x128xf32, #tpu.memory_space<vmem_shared>>
      tpu.wait_indirect_dma semaphore(%arg13 : memref<!tpu.dma_semaphore, #tpu.memory_space<semaphore_mem>>) src(%dma_wait3A_170 : memref<128x128xf32, #tpu.memory_space<vmem>>) dst(%dma_wait3A_176 : memref<10008x128xf32, #tpu.memory_space<vmem_shared>>)
      %add3A_177 = arith.constant 2 : i32
      %add3A_178 = arith.addi %add3A_129, %add3A_177 : i32
      %lt3A_179 = arith.constant 80 : i32
      %lt3A_180 = arith.cmpi slt, %add3A_178, %lt3A_179 : i32
      %convert_element_type3A_181 = arith.extui %lt3A_180 : i1 to i32
      %cond3A_182 = arith.constant 0 : i32
      %cond3A_183 = arith.cmpi ne, %convert_element_type3A_181, %cond3A_182 : i32
      scf.if %cond3A_183 {
        %add3A_184 = arith.constant 2 : i32
        %add3A_185 = arith.addi %add3A_129, %add3A_184 : i32
        %mul3A_186 = arith.constant 128 : i32
        %mul3A_187 = arith.muli %add3A_185, %mul3A_186 : i32
        %add3A_188 = arith.addi %mul3A_10, %mul3A_187 : i32
        %dma_start3A_189 = arith.constant 1 : i32
        %dma_start3A_190 = arith.constant 0 : i32
        %dma_start3A_191 = tpu.memref_slice %arg7[%dma_start3A_189, %dma_start3A_190] : memref<2x128xi32, #tpu.memory_space<vmem>> -> memref<1x128xi32, #tpu.memory_space<vmem>>
        %dma_start3A_192 = tpu.memref_squeeze %dma_start3A_191 : memref<1x128xi32, #tpu.memory_space<vmem>> -> memref<128xi32, #tpu.memory_space<vmem>>
        %dma_start3A_193 = tpu.memref_slice %arg4[%add3A_188] : memref<163840xi32, #tpu.memory_space<hbm>> -> memref<128xi32, #tpu.memory_space<hbm>>
        %dma_start3A_194 = arith.constant 0 : i32
        %dma_start3A_195 = tpu.memref_slice %arg7[%dma_start3A_189, %dma_start3A_194] : memref<2x128xi32, #tpu.memory_space<vmem>> -> memref<1x128xi32, #tpu.memory_space<vmem>>
        %dma_start3A_196 = tpu.memref_squeeze %dma_start3A_195 : memref<1x128xi32, #tpu.memory_space<vmem>> -> memref<128xi32, #tpu.memory_space<vmem>>
        %dma_start3A_197 = tpu.memref_slice %arg4[%add3A_188] : memref<163840xi32, #tpu.memory_space<hbm>> -> memref<128xi32, #tpu.memory_space<hbm>>
        tpu.enqueue_dma source(%dma_start3A_197 : memref<128xi32, #tpu.memory_space<hbm>>) target(%dma_start3A_196 : memref<128xi32, #tpu.memory_space<vmem>>) target_semaphore(%arg15 : memref<!tpu.dma_semaphore, #tpu.memory_space<semaphore_mem>>)
        %add3A_198 = arith.constant 2 : i32
        %add3A_199 = arith.addi %add3A_129, %add3A_198 : i32
        %mul3A_200 = arith.constant 128 : i32
        %mul3A_201 = arith.muli %add3A_199, %mul3A_200 : i32
        %dma_start3A_202 = arith.constant 1 : i32
        %dma_start3A_203 = arith.constant 0 : i32
        %dma_start3A_204 = arith.constant 0 : i32
        %dma_start3A_205 = tpu.memref_slice %arg8[%dma_start3A_202, %dma_start3A_203, %dma_start3A_204] : memref<2x128x128xf32, #tpu.memory_space<vmem>> -> memref<1x128x128xf32, #tpu.memory_space<vmem>>
        %dma_start3A_206 = tpu.memref_squeeze %dma_start3A_205 : memref<1x128x128xf32, #tpu.memory_space<vmem>> -> memref<128x128xf32, #tpu.memory_space<vmem>>
        %dma_start3A_207 = tpu.memref_slice %arg6[%mul3A_201] : memref<10240xi32, #tpu.memory_space<vmem>> -> memref<128xi32, #tpu.memory_space<vmem>>
        %dma_start3A_208 = arith.constant 0 : i32
        %dma_start3A_209 = arith.constant 0 : i32
        %dma_start3A_210 = tpu.memref_slice %arg2[%dma_start3A_208, %dma_start3A_209] : memref<20000x128xf32, #tpu.memory_space<hbm>> -> memref<20000x128xf32, #tpu.memory_space<hbm>>
        tpu.enqueue_indirect_dma source(%dma_start3A_210 : memref<20000x128xf32, #tpu.memory_space<hbm>>) target(%dma_start3A_206 : memref<128x128xf32, #tpu.memory_space<vmem>>) offsets(%dma_start3A_207 : memref<128xi32, #tpu.memory_space<vmem>>) semaphore(%arg11 : memref<!tpu.dma_semaphore, #tpu.memory_space<semaphore_mem>>)
      } else {
      }
    }
    %scan3A_56 = arith.constant 40 : i32
    %barrier3A_57 = arith.constant 0 : index
    tpu.barrier barrier_id(%barrier3A_57)
    %lt3A_58 = arith.constant 15 : i32
    %lt3A_59 = arith.cmpi slt, %arg1, %lt3A_58 : i32
    %convert_element_type3A_60 = arith.extui %lt3A_59 : i1 to i32
    %cond3A_61 = arith.constant 0 : i32
    %cond3A_62 = arith.cmpi ne, %convert_element_type3A_60, %cond3A_61 : i32
    scf.if %cond3A_62 {
      %mul3A_68 = arith.constant 624 : i32
      %mul3A_69 = arith.muli %arg1, %mul3A_68 : i32
      "tpu.region"() ({
        %run_scoped3A = tpu.sem_alloc : memref<!tpu.dma_semaphore, #tpu.memory_space<semaphore_mem>>
        %dma_start3A_70 = arith.constant 0 : i32
        %dma_start3A_71 = tpu.memref_slice %arg5[%arg0, %mul3A_69, %dma_start3A_70] : memref<2x10000x128xf32, #tpu.memory_space<hbm>> -> memref<1x624x128xf32, #tpu.memory_space<hbm>>
        %dma_start3A_72 = tpu.memref_squeeze %dma_start3A_71 : memref<1x624x128xf32, #tpu.memory_space<hbm>> -> memref<624x128xf32, #tpu.memory_space<hbm>>
        %dma_start3A_73 = arith.constant 0 : i32
        %dma_start3A_74 = tpu.memref_slice %arg9[%mul3A_69, %dma_start3A_73] : memref<10008x128xf32, #tpu.memory_space<vmem_shared>> -> memref<624x128xf32, #tpu.memory_space<vmem_shared>>
        tpu.enqueue_dma source(%dma_start3A_74 : memref<624x128xf32, #tpu.memory_space<vmem_shared>>) target(%dma_start3A_72 : memref<624x128xf32, #tpu.memory_space<hbm>>) target_semaphore(%run_scoped3A : memref<!tpu.dma_semaphore, #tpu.memory_space<semaphore_mem>>)
        %dma_wait3A = arith.constant 0 : i32
        %dma_wait3A_75 = tpu.memref_slice %arg5[%arg0, %mul3A_69, %dma_wait3A] : memref<2x10000x128xf32, #tpu.memory_space<hbm>> -> memref<1x624x128xf32, #tpu.memory_space<hbm>>
        %dma_wait3A_76 = tpu.memref_squeeze %dma_wait3A_75 : memref<1x624x128xf32, #tpu.memory_space<hbm>> -> memref<624x128xf32, #tpu.memory_space<hbm>>
        %dma_wait3A_77 = arith.constant 0 : i32
        %dma_wait3A_78 = tpu.memref_slice %arg9[%mul3A_69, %dma_wait3A_77] : memref<10008x128xf32, #tpu.memory_space<vmem_shared>> -> memref<624x128xf32, #tpu.memory_space<vmem_shared>>
        tpu.wait_dma2 semaphore(%run_scoped3A : memref<!tpu.dma_semaphore, #tpu.memory_space<semaphore_mem>>) src(%dma_wait3A_78 : memref<624x128xf32, #tpu.memory_space<vmem_shared>>) dst(%dma_wait3A_76 : memref<624x128xf32, #tpu.memory_space<hbm>>)
        tpu.yield
      }) : () -> ()
    } else {
    }
    %eq3A_63 = arith.constant 15 : i32
    %eq3A_64 = arith.cmpi eq, %arg1, %eq3A_63 : i32
    %convert_element_type3A_65 = arith.extui %eq3A_64 : i1 to i32
    %cond3A_66 = arith.constant 0 : i32
    %cond3A_67 = arith.cmpi ne, %convert_element_type3A_65, %cond3A_66 : i32
    scf.if %cond3A_67 {
      "tpu.region"() ({
        %run_scoped3A = tpu.sem_alloc : memref<!tpu.dma_semaphore, #tpu.memory_space<semaphore_mem>>
        %dma_start3A_68 = arith.constant 9360 : i32
        %dma_start3A_69 = arith.constant 0 : i32
        %dma_start3A_70 = tpu.memref_slice %arg5[%arg0, %dma_start3A_68, %dma_start3A_69] : memref<2x10000x128xf32, #tpu.memory_space<hbm>> -> memref<1x640x128xf32, #tpu.memory_space<hbm>>
        %dma_start3A_71 = tpu.memref_squeeze %dma_start3A_70 : memref<1x640x128xf32, #tpu.memory_space<hbm>> -> memref<640x128xf32, #tpu.memory_space<hbm>>
        %dma_start3A_72 = arith.constant 9360 : i32
        %dma_start3A_73 = arith.constant 0 : i32
        %dma_start3A_74 = tpu.memref_slice %arg9[%dma_start3A_72, %dma_start3A_73] : memref<10008x128xf32, #tpu.memory_space<vmem_shared>> -> memref<640x128xf32, #tpu.memory_space<vmem_shared>>
        tpu.enqueue_dma source(%dma_start3A_74 : memref<640x128xf32, #tpu.memory_space<vmem_shared>>) target(%dma_start3A_71 : memref<640x128xf32, #tpu.memory_space<hbm>>) target_semaphore(%run_scoped3A : memref<!tpu.dma_semaphore, #tpu.memory_space<semaphore_mem>>)
        %dma_wait3A = arith.constant 9360 : i32
        %dma_wait3A_75 = arith.constant 0 : i32
        %dma_wait3A_76 = tpu.memref_slice %arg5[%arg0, %dma_wait3A, %dma_wait3A_75] : memref<2x10000x128xf32, #tpu.memory_space<hbm>> -> memref<1x640x128xf32, #tpu.memory_space<hbm>>
        %dma_wait3A_77 = tpu.memref_squeeze %dma_wait3A_76 : memref<1x640x128xf32, #tpu.memory_space<hbm>> -> memref<640x128xf32, #tpu.memory_space<hbm>>
        %dma_wait3A_78 = arith.constant 9360 : i32
        %dma_wait3A_79 = arith.constant 0 : i32
        %dma_wait3A_80 = tpu.memref_slice %arg9[%dma_wait3A_78, %dma_wait3A_79] : memref<10008x128xf32, #tpu.memory_space<vmem_shared>> -> memref<640x128xf32, #tpu.memory_space<vmem_shared>>
        tpu.wait_dma2 semaphore(%run_scoped3A : memref<!tpu.dma_semaphore, #tpu.memory_space<semaphore_mem>>) src(%dma_wait3A_80 : memref<640x128xf32, #tpu.memory_space<vmem_shared>>) dst(%dma_wait3A_77 : memref<640x128xf32, #tpu.memory_space<hbm>>)
        tpu.yield
      }) : () -> ()
    } else {
    }
    return
  }
}

module attributes {stable_mosaic.version = 14 : i64} {
  func.func @_preA_body(%arg0: i32, %arg1: memref<1000x256xf32, #tpu.memory_space<vmem>>, %arg2: memref<256x256xf32, #tpu.memory_space<vmem>>, %arg3: memref<1000x256xf32, #tpu.memory_space<vmem>>) attributes {dimension_semantics = [#tpu.dimension_semantics<arbitrary>], iteration_bounds = array<i64: 10>, scalar_prefetch = 0 : i64, scratch_operands = 0 : i64, tpu.core_type = #tpu.core_type<tc>, window_params = [{transform_indices = @transform_0, window_bounds = array<i64: 1000, 256>}, {pipeline_mode = #tpu.pipeline_mode<synchronous>, transform_indices = @transform_1, window_bounds = array<i64: 256, 256>}, {transform_indices = @transform_2, window_bounds = array<i64: 1000, 256>}]} {
    %get3A = arith.constant 0 : index
    %get3A_0 = arith.constant 0 : index
    %get3A_1 = vector.load %arg1[%get3A, %get3A_0] : memref<1000x256xf32, #tpu.memory_space<vmem>>, vector<1000x256xf32>
    %get3A_2 = arith.constant 0 : index
    %get3A_3 = arith.constant 0 : index
    %get3A_4 = vector.load %arg2[%get3A_2, %get3A_3] : memref<256x256xf32, #tpu.memory_space<vmem>>, vector<256x256xf32>
    %dot_general3A = arith.constant dense<0.000000e+00> : vector<1000x256xf32>
    %dot_general3A_5 = tpu.matmul %get3A_1, %get3A_4, %dot_general3A {dimension_numbers = #tpu.dot_dimension_numbers<[1], [0], [0], [1], [0, 0, 1, 1], [], []>, transpose_lhs_hint = false} : vector<1000x256xf32>, vector<256x256xf32>, vector<1000x256xf32> -> vector<1000x256xf32>
    %swap3A = arith.constant 0 : index
    %swap3A_6 = arith.constant 0 : index
    %swap3A_7 = vector.load %arg3[%swap3A, %swap3A_6] : memref<1000x256xf32, #tpu.memory_space<vmem>>, vector<1000x256xf32>
    tpu.vector_store %arg3[%swap3A, %swap3A_6], %dot_general3A_5 {strides = array<i32>} : memref<1000x256xf32, #tpu.memory_space<vmem>>, vector<1000x256xf32>,
    return
  }
  func.func @transform_0(%arg0: i32) -> (i32, i32) {
    %c0_i32 = arith.constant 0 : i32
    %c0_i32_0 = arith.constant 0 : i32
    return %arg0, %c0_i32 : i32, i32
  }
  func.func @transform_1(%arg0: i32) -> (i32, i32) {
    %c0_i32 = arith.constant 0 : i32
    %c0_i32_0 = arith.constant 0 : i32
    %c0_i32_1 = arith.constant 0 : i32
    return %c0_i32, %c0_i32_0 : i32, i32
  }
  func.func @transform_2(%arg0: i32) -> (i32, i32) {
    %c0_i32 = arith.constant 0 : i32
    %c0_i32_0 = arith.constant 0 : i32
    return %arg0, %c0_i32 : i32, i32
  }
}

module attributes {stable_mosaic.version = 14 : i64} {
  func.func @_preB_body(%arg0: i32, %arg1: memref<1000x256xf32, #tpu.memory_space<vmem>>, %arg2: memref<2x1000x16xf32, #tpu.memory_space<vmem>>, %arg3: memref<2x1000x128xf32, #tpu.memory_space<vmem>>, %arg4: memref<1000x1xf32, #tpu.memory_space<vmem>>) attributes {dimension_semantics = [#tpu.dimension_semantics<arbitrary>], iteration_bounds = array<i64: 10>, scalar_prefetch = 0 : i64, scratch_operands = 0 : i64, tpu.core_type = #tpu.core_type<tc>, window_params = [{transform_indices = @transform_0, window_bounds = array<i64: 1000, 256>}, {transform_indices = @transform_1, window_bounds = array<i64: 2, 1000, 16>}, {transform_indices = @transform_2, window_bounds = array<i64: 2, 1000, 128>}, {transform_indices = @transform_3, window_bounds = array<i64: 1000, 1>}]} {
    %get3A = arith.constant 0 : index
    %get3A_0 = arith.constant 0 : index
    %get3A_1 = arith.constant 0 : index
    %get3A_2 = vector.load %arg2[%get3A, %get3A_0, %get3A_1] : memref<2x1000x16xf32, #tpu.memory_space<vmem>>, vector<1x1000x1xf32>
    %get3A_3 = vector.shape_cast %get3A_2 : vector<1x1000x1xf32> to vector<1000x1xf32>
    %get3A_4 = arith.constant 1 : index
    %get3A_5 = arith.constant 0 : index
    %get3A_6 = arith.constant 0 : index
    %get3A_7 = vector.load %arg2[%get3A_4, %get3A_5, %get3A_6] : memref<2x1000x16xf32, #tpu.memory_space<vmem>>, vector<1x1000x1xf32>
    %get3A_8 = vector.shape_cast %get3A_7 : vector<1x1000x1xf32> to vector<1000x1xf32>
    %add3A = arith.addf %get3A_3, %get3A_8 : vector<1000x1xf32>
    %add3A_9 = arith.constant 1.000000e+00 : f32
    %add3A_10 = vector.broadcast %add3A_9 : f32 to vector<1000x1xf32>
    %add3A_11 = arith.addf %add3A, %add3A_10 : vector<1000x1xf32>
    %rsqrt3A = math.rsqrt %add3A_11 : vector<1000x1xf32>
    %get3A_12 = arith.constant 0 : index
    %get3A_13 = arith.constant 0 : index
    %get3A_14 = vector.load %arg1[%get3A_12, %get3A_13] : memref<1000x256xf32, #tpu.memory_space<vmem>>, vector<1000x256xf32>
    %mul3A = vector.broadcast %rsqrt3A : vector<1000x1xf32> to vector<1000x256xf32>
    %mul3A_15 = arith.mulf %get3A_14, %mul3A : vector<1000x256xf32>
    %slice3A = vector.extract_strided_slice %mul3A_15 {offsets = [0, 0], sizes = [1000, 128], strides = [1, 1]} : vector<1000x256xf32> to vector<1000x128xf32>
    %swap3A = arith.constant 0 : index
    %swap3A_16 = arith.constant 0 : index
    %swap3A_17 = arith.constant 0 : index
    %swap3A_18 = vector.load %arg3[%swap3A, %swap3A_16, %swap3A_17] : memref<2x1000x128xf32, #tpu.memory_space<vmem>>, vector<1x1000x128xf32>
    %swap3A_19 = vector.shape_cast %swap3A_18 : vector<1x1000x128xf32> to vector<1000x128xf32>
    %swap3A_20 = vector.shape_cast %slice3A : vector<1000x128xf32> to vector<1x1000x128xf32>
    tpu.vector_store %arg3[%swap3A, %swap3A_16, %swap3A_17], %swap3A_20 {strides = array<i32>} : memref<2x1000x128xf32, #tpu.memory_space<vmem>>, vector<1x1000x128xf32>,
    %slice3A_21 = vector.extract_strided_slice %mul3A_15 {offsets = [0, 128], sizes = [1000, 128], strides = [1, 1]} : vector<1000x256xf32> to vector<1000x128xf32>
    %swap3A_22 = arith.constant 1 : index
    %swap3A_23 = arith.constant 0 : index
    %swap3A_24 = arith.constant 0 : index
    %swap3A_25 = vector.load %arg3[%swap3A_22, %swap3A_23, %swap3A_24] : memref<2x1000x128xf32, #tpu.memory_space<vmem>>, vector<1x1000x128xf32>
    %swap3A_26 = vector.shape_cast %swap3A_25 : vector<1x1000x128xf32> to vector<1000x128xf32>
    %swap3A_27 = vector.shape_cast %slice3A_21 : vector<1000x128xf32> to vector<1x1000x128xf32>
    tpu.vector_store %arg3[%swap3A_22, %swap3A_23, %swap3A_24], %swap3A_27 {strides = array<i32>} : memref<2x1000x128xf32, #tpu.memory_space<vmem>>, vector<1x1000x128xf32>,
    %swap3A_28 = arith.constant 0 : index
    %swap3A_29 = arith.constant 0 : index
    %swap3A_30 = vector.load %arg4[%swap3A_28, %swap3A_29] : memref<1000x1xf32, #tpu.memory_space<vmem>>, vector<1000x1xf32>
    tpu.vector_store %arg4[%swap3A_28, %swap3A_29], %rsqrt3A {strides = array<i32>} : memref<1000x1xf32, #tpu.memory_space<vmem>>, vector<1000x1xf32>,
    return
  }
  func.func @transform_0(%arg0: i32) -> (i32, i32) {
    %c0_i32 = arith.constant 0 : i32
    %c0_i32_0 = arith.constant 0 : i32
    return %arg0, %c0_i32 : i32, i32
  }
  func.func @transform_1(%arg0: i32) -> (i32, i32, i32) {
    %c0_i32 = arith.constant 0 : i32
    %c0_i32_0 = arith.constant 0 : i32
    %c0_i32_1 = arith.constant 0 : i32
    return %c0_i32, %arg0, %c0_i32_0 : i32, i32, i32
  }
  func.func @transform_2(%arg0: i32) -> (i32, i32, i32) {
    %c0_i32 = arith.constant 0 : i32
    %c0_i32_0 = arith.constant 0 : i32
    %c0_i32_1 = arith.constant 0 : i32
    return %c0_i32, %arg0, %c0_i32_0 : i32, i32, i32
  }
  func.func @transform_3(%arg0: i32) -> (i32, i32) {
    %c0_i32 = arith.constant 0 : i32
    %c0_i32_0 = arith.constant 0 : i32
    return %arg0, %c0_i32 : i32, i32
  }
}

module attributes {stable_mosaic.version = 14 : i64} {
  func.func @_mid_body(%arg0: i32, %arg1: memref<2x1000x128xf32, #tpu.memory_space<vmem>>, %arg2: memref<1000x1xf32, #tpu.memory_space<vmem>>, %arg3: memref<1x256xf32, #tpu.memory_space<vmem>>, %arg4: memref<256x256xf32, #tpu.memory_space<vmem>>, %arg5: memref<2x1000x128xf32, #tpu.memory_space<vmem>>) attributes {dimension_semantics = [#tpu.dimension_semantics<arbitrary>], iteration_bounds = array<i64: 10>, scalar_prefetch = 0 : i64, scratch_operands = 0 : i64, tpu.core_type = #tpu.core_type<tc>, window_params = [{transform_indices = @transform_0, window_bounds = array<i64: 2, 1000, 128>}, {transform_indices = @transform_1, window_bounds = array<i64: 1000, 1>}, {pipeline_mode = #tpu.pipeline_mode<synchronous>, transform_indices = @transform_2, window_bounds = array<i64: 1, 256>}, {pipeline_mode = #tpu.pipeline_mode<synchronous>, transform_indices = @transform_3, window_bounds = array<i64: 256, 256>}, {transform_indices = @transform_4, window_bounds = array<i64: 2, 1000, 128>}]} {
    %get3A = arith.constant 0 : index
    %get3A_0 = arith.constant 0 : index
    %get3A_1 = arith.constant 0 : index
    %get3A_2 = vector.load %arg1[%get3A, %get3A_0, %get3A_1] : memref<2x1000x128xf32, #tpu.memory_space<vmem>>, vector<1x1000x128xf32>
    %get3A_3 = vector.shape_cast %get3A_2 : vector<1x1000x128xf32> to vector<1000x128xf32>
    %get3A_4 = arith.constant 1 : index
    %get3A_5 = arith.constant 0 : index
    %get3A_6 = arith.constant 0 : index
    %get3A_7 = vector.load %arg1[%get3A_4, %get3A_5, %get3A_6] : memref<2x1000x128xf32, #tpu.memory_space<vmem>>, vector<1x1000x128xf32>
    %get3A_8 = vector.shape_cast %get3A_7 : vector<1x1000x128xf32> to vector<1000x128xf32>
    %concatenate3A = tpu.concatenate %get3A_3, %get3A_8 in 1 : vector<1000x128xf32>, vector<1000x128xf32> -> vector<1000x256xf32>
    %get3A_9 = arith.constant 0 : index
    %get3A_10 = arith.constant 0 : index
    %get3A_11 = vector.load %arg2[%get3A_9, %get3A_10] : memref<1000x1xf32, #tpu.memory_space<vmem>>, vector<1000x1xf32>
    %mul3A = vector.broadcast %get3A_11 : vector<1000x1xf32> to vector<1000x256xf32>
    %mul3A_12 = arith.mulf %concatenate3A, %mul3A : vector<1000x256xf32>
    %get3A_13 = arith.constant 0 : index
    %get3A_14 = arith.constant 0 : index
    %get3A_15 = vector.load %arg3[%get3A_13, %get3A_14] : memref<1x256xf32, #tpu.memory_space<vmem>>, vector<1x256xf32>
    %add3A = vector.broadcast %get3A_15 : vector<1x256xf32> to vector<1000x256xf32>
    %add3A_16 = arith.addf %mul3A_12, %add3A : vector<1000x256xf32>
    %max3A = arith.constant 0.000000e+00 : f32
    %max3A_17 = vector.broadcast %max3A : f32 to vector<1000x256xf32>
    %max3A_18 = arith.maximumf %add3A_16, %max3A_17 : vector<1000x256xf32>
    %get3A_19 = arith.constant 0 : index
    %get3A_20 = arith.constant 0 : index
    %get3A_21 = vector.load %arg4[%get3A_19, %get3A_20] : memref<256x256xf32, #tpu.memory_space<vmem>>, vector<256x256xf32>
    %dot_general3A = arith.constant dense<0.000000e+00> : vector<1000x256xf32>
    %dot_general3A_22 = tpu.matmul %max3A_18, %get3A_21, %dot_general3A {dimension_numbers = #tpu.dot_dimension_numbers<[1], [0], [0], [1], [0, 0, 1, 1], [], []>, transpose_lhs_hint = false} : vector<1000x256xf32>, vector<256x256xf32>, vector<1000x256xf32> -> vector<1000x256xf32>
    %get3A_23 = arith.constant 0 : index
    %get3A_24 = arith.constant 0 : index
    %get3A_25 = vector.load %arg2[%get3A_23, %get3A_24] : memref<1000x1xf32, #tpu.memory_space<vmem>>, vector<1000x1xf32>
    %mul3A_26 = vector.broadcast %get3A_25 : vector<1000x1xf32> to vector<1000x256xf32>
    %mul3A_27 = arith.mulf %dot_general3A_22, %mul3A_26 : vector<1000x256xf32>
    %slice3A = vector.extract_strided_slice %mul3A_27 {offsets = [0, 0], sizes = [1000, 128], strides = [1, 1]} : vector<1000x256xf32> to vector<1000x128xf32>
    %swap3A = arith.constant 0 : index
    %swap3A_28 = arith.constant 0 : index
    %swap3A_29 = arith.constant 0 : index
    %swap3A_30 = vector.load %arg5[%swap3A, %swap3A_28, %swap3A_29] : memref<2x1000x128xf32, #tpu.memory_space<vmem>>, vector<1x1000x128xf32>
    %swap3A_31 = vector.shape_cast %swap3A_30 : vector<1x1000x128xf32> to vector<1000x128xf32>
    %swap3A_32 = vector.shape_cast %slice3A : vector<1000x128xf32> to vector<1x1000x128xf32>
    tpu.vector_store %arg5[%swap3A, %swap3A_28, %swap3A_29], %swap3A_32 {strides = array<i32>} : memref<2x1000x128xf32, #tpu.memory_space<vmem>>, vector<1x1000x128xf32>,
    %slice3A_33 = vector.extract_strided_slice %mul3A_27 {offsets = [0, 128], sizes = [1000, 128], strides = [1, 1]} : vector<1000x256xf32> to vector<1000x128xf32>
    %swap3A_34 = arith.constant 1 : index
    %swap3A_35 = arith.constant 0 : index
    %swap3A_36 = arith.constant 0 : index
    %swap3A_37 = vector.load %arg5[%swap3A_34, %swap3A_35, %swap3A_36] : memref<2x1000x128xf32, #tpu.memory_space<vmem>>, vector<1x1000x128xf32>
    %swap3A_38 = vector.shape_cast %swap3A_37 : vector<1x1000x128xf32> to vector<1000x128xf32>
    %swap3A_39 = vector.shape_cast %slice3A_33 : vector<1000x128xf32> to vector<1x1000x128xf32>
    tpu.vector_store %arg5[%swap3A_34, %swap3A_35, %swap3A_36], %swap3A_39 {strides = array<i32>} : memref<2x1000x128xf32, #tpu.memory_space<vmem>>, vector<1x1000x128xf32>,
    return
  }
  func.func @transform_0(%arg0: i32) -> (i32, i32, i32) {
    %c0_i32 = arith.constant 0 : i32
    %c0_i32_0 = arith.constant 0 : i32
    %c0_i32_1 = arith.constant 0 : i32
    return %c0_i32, %arg0, %c0_i32_0 : i32, i32, i32
  }
  func.func @transform_1(%arg0: i32) -> (i32, i32) {
    %c0_i32 = arith.constant 0 : i32
    %c0_i32_0 = arith.constant 0 : i32
    return %arg0, %c0_i32 : i32, i32
  }
  func.func @transform_2(%arg0: i32) -> (i32, i32) {
    %c0_i32 = arith.constant 0 : i32
    %c0_i32_0 = arith.constant 0 : i32
    %c0_i32_1 = arith.constant 0 : i32
    return %c0_i32, %c0_i32_0 : i32, i32
  }
  func.func @transform_3(%arg0: i32) -> (i32, i32) {
    %c0_i32 = arith.constant 0 : i32
    %c0_i32_0 = arith.constant 0 : i32
    %c0_i32_1 = arith.constant 0 : i32
    return %c0_i32, %c0_i32_0 : i32, i32
  }
  func.func @transform_4(%arg0: i32) -> (i32, i32, i32) {
    %c0_i32 = arith.constant 0 : i32
    %c0_i32_0 = arith.constant 0 : i32
    %c0_i32_1 = arith.constant 0 : i32
    return %c0_i32, %arg0, %c0_i32_0 : i32, i32, i32
  }
}

module attributes {stable_mosaic.version = 14 : i64} {
  func.func @_fin_body(%arg0: i32, %arg1: memref<2x1000x128xf32, #tpu.memory_space<vmem>>, %arg2: memref<1000x1xf32, #tpu.memory_space<vmem>>, %arg3: memref<1x256xf32, #tpu.memory_space<vmem>>, %arg4: memref<256x16xf32, #tpu.memory_space<vmem>>, %arg5: memref<1x16xf32, #tpu.memory_space<vmem>>, %arg6: memref<1x16xf32, #tpu.memory_space<vmem>>, %arg7: memref<1x256xf32, #tpu.memory_space<vmem>>) attributes {dimension_semantics = [#tpu.dimension_semantics<arbitrary>], iteration_bounds = array<i64: 10>, scalar_prefetch = 0 : i64, scratch_operands = 1 : i64, tpu.core_type = #tpu.core_type<tc>, window_params = [{transform_indices = @transform_0, window_bounds = array<i64: 2, 1000, 128>}, {transform_indices = @transform_1, window_bounds = array<i64: 1000, 1>}, {pipeline_mode = #tpu.pipeline_mode<synchronous>, transform_indices = @transform_2, window_bounds = array<i64: 1, 256>}, {pipeline_mode = #tpu.pipeline_mode<synchronous>, transform_indices = @transform_3, window_bounds = array<i64: 256, 16>}, {pipeline_mode = #tpu.pipeline_mode<synchronous>, transform_indices = @transform_4, window_bounds = array<i64: 1, 16>}, {pipeline_mode = #tpu.pipeline_mode<synchronous>, transform_indices = @transform_5, window_bounds = array<i64: 1, 16>}]} {
    %get3A = arith.constant 0 : index
    %get3A_0 = arith.constant 0 : index
    %get3A_1 = arith.constant 0 : index
    %get3A_2 = vector.load %arg1[%get3A, %get3A_0, %get3A_1] : memref<2x1000x128xf32, #tpu.memory_space<vmem>>, vector<1x1000x128xf32>
    %get3A_3 = vector.shape_cast %get3A_2 : vector<1x1000x128xf32> to vector<1000x128xf32>
    %get3A_4 = arith.constant 1 : index
    %get3A_5 = arith.constant 0 : index
    %get3A_6 = arith.constant 0 : index
    %get3A_7 = vector.load %arg1[%get3A_4, %get3A_5, %get3A_6] : memref<2x1000x128xf32, #tpu.memory_space<vmem>>, vector<1x1000x128xf32>
    %get3A_8 = vector.shape_cast %get3A_7 : vector<1x1000x128xf32> to vector<1000x128xf32>
    %concatenate3A = tpu.concatenate %get3A_3, %get3A_8 in 1 : vector<1000x128xf32>, vector<1000x128xf32> -> vector<1000x256xf32>
    %get3A_9 = arith.constant 0 : index
    %get3A_10 = arith.constant 0 : index
    %get3A_11 = vector.load %arg2[%get3A_9, %get3A_10] : memref<1000x1xf32, #tpu.memory_space<vmem>>, vector<1000x1xf32>
    %mul3A = vector.broadcast %get3A_11 : vector<1000x1xf32> to vector<1000x256xf32>
    %mul3A_12 = arith.mulf %concatenate3A, %mul3A : vector<1000x256xf32>
    %get3A_13 = arith.constant 0 : index
    %get3A_14 = arith.constant 0 : index
    %get3A_15 = vector.load %arg3[%get3A_13, %get3A_14] : memref<1x256xf32, #tpu.memory_space<vmem>>, vector<1x256xf32>
    %add3A = vector.broadcast %get3A_15 : vector<1x256xf32> to vector<1000x256xf32>
    %add3A_16 = arith.addf %mul3A_12, %add3A : vector<1000x256xf32>
    %max3A = arith.constant 0.000000e+00 : f32
    %max3A_17 = vector.broadcast %max3A : f32 to vector<1000x256xf32>
    %max3A_18 = arith.maximumf %add3A_16, %max3A_17 : vector<1000x256xf32>
    %reduce_max3A = arith.constant dense<0xFF800000> : vector<256xf32>
    %reduce_max3A_19 = vector.multi_reduction <maximumf>, %max3A_18, %reduce_max3A [0] : vector<1000x256xf32> to vector<256xf32>
    %broadcast_in_dim3A = vector.shape_cast %reduce_max3A_19 : vector<256xf32> to vector<1x256xf32>
    %eq3A = arith.constant 0 : i32
    %eq3A_20 = arith.cmpi eq, %arg0, %eq3A : i32
    %convert_element_type3A = arith.extui %eq3A_20 : i1 to i32
    %cond3A = arith.constant 0 : i32
    %cond3A_21 = arith.cmpi ne, %convert_element_type3A, %cond3A : i32
    scf.if %cond3A_21 {
      %swap3A = arith.constant 0 : index
      %swap3A_31 = arith.constant 0 : index
      %swap3A_32 = vector.load %arg7[%swap3A, %swap3A_31] : memref<1x256xf32, #tpu.memory_space<vmem>>, vector<1x256xf32>
      tpu.vector_store %arg7[%swap3A, %swap3A_31], %broadcast_in_dim3A {strides = array<i32>} : memref<1x256xf32, #tpu.memory_space<vmem>>, vector<1x256xf32>,
    } else {
    }
    %gt3A = arith.constant 0 : i32
    %gt3A_22 = arith.cmpi sgt, %arg0, %gt3A : i32
    %convert_element_type3A_23 = arith.extui %gt3A_22 : i1 to i32
    %cond3A_24 = arith.constant 0 : i32
    %cond3A_25 = arith.cmpi ne, %convert_element_type3A_23, %cond3A_24 : i32
    scf.if %cond3A_25 {
      %get3A_31 = arith.constant 0 : index
      %get3A_32 = arith.constant 0 : index
      %get3A_33 = vector.load %arg7[%get3A_31, %get3A_32] : memref<1x256xf32, #tpu.memory_space<vmem>>, vector<1x256xf32>
      %max3A_34 = arith.maximumf %get3A_33, %broadcast_in_dim3A : vector<1x256xf32>
      %swap3A = arith.constant 0 : index
      %swap3A_35 = arith.constant 0 : index
      %swap3A_36 = vector.load %arg7[%swap3A, %swap3A_35] : memref<1x256xf32, #tpu.memory_space<vmem>>, vector<1x256xf32>
      tpu.vector_store %arg7[%swap3A, %swap3A_35], %max3A_34 {strides = array<i32>} : memref<1x256xf32, #tpu.memory_space<vmem>>, vector<1x256xf32>,
    } else {
    }
    %eq3A_26 = arith.constant 9 : i32
    %eq3A_27 = arith.cmpi eq, %arg0, %eq3A_26 : i32
    %convert_element_type3A_28 = arith.extui %eq3A_27 : i1 to i32
    %cond3A_29 = arith.constant 0 : i32
    %cond3A_30 = arith.cmpi ne, %convert_element_type3A_28, %cond3A_29 : i32
    scf.if %cond3A_30 {
      %get3A_31 = arith.constant 0 : index
      %get3A_32 = arith.constant 0 : index
      %get3A_33 = vector.load %arg7[%get3A_31, %get3A_32] : memref<1x256xf32, #tpu.memory_space<vmem>>, vector<1x256xf32>
      %get3A_34 = arith.constant 0 : index
      %get3A_35 = arith.constant 0 : index
      %get3A_36 = vector.load %arg4[%get3A_34, %get3A_35] : memref<256x16xf32, #tpu.memory_space<vmem>>, vector<256x16xf32>
      %dot_general3A = arith.constant dense<0.000000e+00> : vector<1x16xf32>
      %dot_general3A_37 = tpu.matmul %get3A_33, %get3A_36, %dot_general3A {dimension_numbers = #tpu.dot_dimension_numbers<[1], [0], [0], [1], [0, 0, 1, 1], [], []>, transpose_lhs_hint = false} : vector<1x256xf32>, vector<256x16xf32>, vector<1x16xf32> -> vector<1x16xf32>
      %get3A_38 = arith.constant 0 : index
      %get3A_39 = arith.constant 0 : index
      %get3A_40 = vector.load %arg5[%get3A_38, %get3A_39] : memref<1x16xf32, #tpu.memory_space<vmem>>, vector<1x16xf32>
      %add3A_41 = arith.addf %dot_general3A_37, %get3A_40 : vector<1x16xf32>
      %swap3A = arith.constant 0 : index
      %swap3A_42 = arith.constant 0 : index
      %swap3A_43 = vector.load %arg6[%swap3A, %swap3A_42] : memref<1x16xf32, #tpu.memory_space<vmem>>, vector<1x16xf32>
      tpu.vector_store %arg6[%swap3A, %swap3A_42], %add3A_41 {strides = array<i32>} : memref<1x16xf32, #tpu.memory_space<vmem>>, vector<1x16xf32>,
    } else {
    }
    return
  }
  func.func @transform_0(%arg0: i32) -> (i32, i32, i32) {
    %c0_i32 = arith.constant 0 : i32
    %c0_i32_0 = arith.constant 0 : i32
    %c0_i32_1 = arith.constant 0 : i32
    return %c0_i32, %arg0, %c0_i32_0 : i32, i32, i32
  }
  func.func @transform_1(%arg0: i32) -> (i32, i32) {
    %c0_i32 = arith.constant 0 : i32
    %c0_i32_0 = arith.constant 0 : i32
    return %arg0, %c0_i32 : i32, i32
  }
  func.func @transform_2(%arg0: i32) -> (i32, i32) {
    %c0_i32 = arith.constant 0 : i32
    %c0_i32_0 = arith.constant 0 : i32
    %c0_i32_1 = arith.constant 0 : i32
    return %c0_i32, %c0_i32_0 : i32, i32
  }
  func.func @transform_3(%arg0: i32) -> (i32, i32) {
    %c0_i32 = arith.constant 0 : i32
    %c0_i32_0 = arith.constant 0 : i32
    %c0_i32_1 = arith.constant 0 : i32
    return %c0_i32, %c0_i32_0 : i32, i32
  }
  func.func @transform_4(%arg0: i32) -> (i32, i32) {
    %c0_i32 = arith.constant 0 : i32
    %c0_i32_0 = arith.constant 0 : i32
    %c0_i32_1 = arith.constant 0 : i32
    return %c0_i32, %c0_i32_0 : i32, i32
  }
  func.func @transform_5(%arg0: i32) -> (i32, i32) {
    %c0_i32 = arith.constant 0 : i32
    %c0_i32_0 = arith.constant 0 : i32
    %c0_i32_1 = arith.constant 0 : i32
    return %c0_i32, %c0_i32_0 : i32, i32
  }
}

</mosaic_0001>

<sc_bundles>
// kernel: kernel.12.cloned.1.call-start
scs
__scs_entry_jumppad:
0x0: {  	(pc) =	sbr.rel $0x88, $3  }
0x1: {  	(tag) =	ssettag $0x0;
	lr =	simm.s32 $0x1  }
0x2: {  	[smem:$0x3F99] =	sst lr;
	_ =	strace $0xD0000000  }
0x3: {  	_ = 	snop  }
0x4: {  	_ = 	snop  }
0x5: {  	_ = 	snop  }
0x6: {  	_ = 	snop  }
0x7: {  	_ = 	snop  }
__scs_overlays_trampoline_lowered:
0x8: {  	[smem:$0x3FA8] =	sst s0  }
0x9: {  	[smem:$0x3FA9] =	sst s1  }
0xa: {  	[smem:$0x3FAA] =	sst s2  }
0xb: {  	[smem:$0x3FAB] =	sst s3  }
0xc: {  	[smem:$0x3FAC] =	sst s4  }
0xd: {  	[smem:$0x3FAD] =	sst s5  }
0xe: {  	[smem:$0x3FAE] =	sst s6  }
0xf: {  	[smem:$0x3FAF] =	sst s7  }
0x10: {  	[smem:$0x3FB0] =	sst s8  }
0x11: {  	[smem:$0x3FB1] =	sst s9;
	s0 =	simm.s32 @!p0 $0x0  }
0x12: {  	s1 =	sld [smem:$0x3F97];
	s0 =	simm.s32 @p0 $0x1  }
0x13: {  	[smem:$0x3FB2] =	sst s0;
	s0 =	simm.s32 @!p1 $0x0  }
0x14: {  	s2 =	sld [smem:$0x3F96];
	s0 =	simm.s32 @p1 $0x1  }
0x15: {  	[smem:$0x3FB3] =	sst s0;
	s0 =	simm.s32 @!p2 $0x0  }
0x16: {  	s3 =	sld [smem:$0x3FDB];
	s0 =	simm.s32 @p2 $0x1  }
0x17: {  	s4 =	simm.s32 $0x1BF5;
	[smem:$0x3FB5] =	sst s0  }
0x18: {  	s0 =	sld [smem:$0x3F98];
	_ =	swait.ge [sflag:s4], $0x0  }
0x19: {  	s7 =	sld [smem:$0x3F99]  }
0x1a: {  	s8 =	sadd.s32 $0xFFFFE003, lr  }
0x1b: {  	s9 =	sadd.s32 $0xFFFFFEF7, lr;
	s5 =	simm.s32 $0xFFFFFFFF;
	p2 =	slt.u32 s8, $0xFFFFF086  }
0x1c: {  	p1 =	slt.u32 s9, $0xF7A;
	s5 =	simm.s32 @!p2 $0x0  }
0x1d: {  	s5 =	simm.s32 @p1 $0x1;
	p0 =	seq.s32 s7, s2  }
0x1e: {  	s7 =	smul.u32 @!p0 $0xF7A, s2;
	p2 =	seq.s32 @!p0 s5, $0x0  }
0x1f: {  	s9 =	smul.u32 $0xF7A, s1;
	s8 =	simm.s32 @!p0 $0x1BF5;
	p2 =	por !p2, p0  }
0x20: {  	[sflag:s8] =	ssyncset.s32 @!p0 $0xFFFFF086;
	s6 =	sadd.s32 @!p0 s3, s7;
	s7 =	simm.s32 @!p0 $0x108  }
0x21: {  	s3 =	sadd.s32 s3, s9;
	s6 =	sadd.s32 @!p0 $0x88, s6;
	s7 =	simm.s32 @p2 $0x1082  }
0x22: {  	[simem:s7], [sflag:s8] =	dma.local @!p0 [hbm:s6], $0xF7A  }
0x23: {  	s9 =	sor.u32 $0xD0000000, s2;
	s6 =	simm.s32 $0x108;
	_ =	swait.ge @!p0 [sflag:s8], $0x0  }
0x24: {  	s3 =	sadd.s32 $0x88, s3;
	s6 =	simm.s32 @!p1 $0x1082;
	[sflag:s4] =	ssyncset.s32 $0xFFFFF086  }
0x25: {  	[simem:s6], [sflag:s4] =	dma.local [hbm:s3], $0xF7A  }
0x26: {  	[smem:$0x3F99] =	sst s1;
	(tag) =	ssettag s2;
	_ =	strace s9  }
0x27: {  	s1 =	sld [smem:$0x3FA9]  }
0x28: {  	s2 =	sld [smem:$0x3FAA]  }
0x29: {  	s4 =	sld [smem:$0x3FAC]  }
0x2a: {  	p0 =	seq.s32 s5, $0x0;
	s5 =	sld [smem:$0x3FAD]  }
0x2b: {  	s6 =	sld [smem:$0x3FAE]  }
0x2c: {  	s7 =	sld [smem:$0x3FAF]  }
0x2d: {  	s3 =	simm.s32 $0x108;
	s8 =	sld [smem:$0x3FB0]  }
0x2e: {  	s3 =	simm.s32 @!p0 $0x1082;
	s9 =	sld [smem:$0x3FB1]  }
0x2f: {  	lr =	sadd.s32 s0, s3;
	s0 =	sld [smem:$0x3FA8]  }
0x30: {  	s3 =	sld [smem:$0x3FAB]  }
0x31: {  	[smem:$0x3FB4] =	sst s10  }
0x32: {  	s10 =	sld [smem:$0x3FB2];
	_ =	sdelay $0x3  }
0x33: {  	p0 =	seq.s32 s10, $0x1;
	s10 =	sld [smem:$0x3FB4];
	_ =	sdelay $0x3  }
0x34: {  	[smem:$0x3FB4] =	sst s10  }
0x35: {  	s10 =	sld [smem:$0x3FB3];
	_ =	sdelay $0x3  }
0x36: {  	p1 =	seq.s32 s10, $0x1;
	s10 =	sld [smem:$0x3FB4];
	_ =	sdelay $0x3  }
0x37: {  	[smem:$0x3FB4] =	sst s10  }
0x38: {  	s10 =	sld [smem:$0x3FB5]  }
0x39: {  	_ = 	snop;
	(pc) =	sbr.ind lr, $3  }
0x3a: {  	_ = 	snop  }
0x3b: {  	_ = 	snop  }
0x3c: {  	p2 =	seq.s32 s10, $0x1;
	s10 =	sld [smem:$0x3FB4]  }
0x3d: {  	_ =	shalt  }
0x3e: {  	_ =	shalt  }
0x3f: {  	_ =	shalt  }
0x40: {  	_ =	shalt  }
0x41: {  	_ =	shalt  }
0x42: {  	_ =	shalt  }
0x43: {  	_ =	shalt  }
0x44: {  	_ =	shalt  }
0x45: {  	_ =	shalt  }
0x46: {  	_ =	shalt  }
0x47: {  	_ =	shalt  }
0x48: {  	_ =	shalt  }
0x49: {  	_ =	shalt  }
0x4a: {  	_ =	shalt  }
0x4b: {  	_ =	shalt  }
0x4c: {  	_ =	shalt  }
0x4d: {  	_ =	shalt  }
0x4e: {  	_ =	shalt  }
0x4f: {  	_ =	shalt  }
0x50: {  	_ =	shalt  }
0x51: {  	_ =	shalt  }
0x52: {  	_ =	shalt  }
0x53: {  	_ =	shalt  }
0x54: {  	_ =	shalt  }
0x55: {  	_ =	shalt  }
0x56: {  	_ =	shalt  }
0x57: {  	_ =	shalt  }
0x58: {  	_ =	shalt  }
0x59: {  	_ =	shalt  }
0x5a: {  	_ =	shalt  }
0x5b: {  	_ =	shalt  }
0x5c: {  	_ =	shalt  }
0x5d: {  	_ =	shalt  }
0x5e: {  	_ =	shalt  }
0x5f: {  	_ =	shalt  }
0x60: {  	_ =	shalt  }
0x61: {  	_ =	shalt  }
0x62: {  	_ =	shalt  }
0x63: {  	_ =	shalt  }
0x64: {  	_ =	shalt  }
0x65: {  	_ =	shalt  }
0x66: {  	_ =	shalt  }
0x67: {  	_ =	shalt  }
0x68: {  	_ =	shalt  }
0x69: {  	_ =	shalt  }
0x6a: {  	_ =	shalt  }
0x6b: {  	_ =	shalt  }
0x6c: {  	_ =	shalt  }
0x6d: {  	_ =	shalt  }
0x6e: {  	_ =	shalt  }
0x6f: {  	_ =	shalt  }
0x70: {  	_ =	shalt  }
0x71: {  	_ =	shalt  }
0x72: {  	_ =	shalt  }
0x73: {  	_ =	shalt  }
0x74: {  	_ =	shalt  }
0x75: {  	_ =	shalt  }
0x76: {  	_ =	shalt  }
0x77: {  	_ =	shalt  }
0x78: {  	_ =	shalt  }
0x79: {  	_ =	shalt  }
0x7a: {  	_ =	shalt  }
0x7b: {  	_ =	shalt  }
0x7c: {  	_ =	shalt  }
0x7d: {  	_ =	shalt  }
0x7e: {  	_ =	shalt  }
0x7f: {  	_ =	shalt  }
0x80: {  	_ =	shalt  }
0x81: {  	_ =	shalt  }
0x82: {  	_ =	shalt  }
0x83: {  	_ =	shalt  }
0x84: {  	_ =	shalt  }
0x85: {  	_ =	shalt  }
0x86: {  	_ =	shalt  }
0x87: {  	_ =	shalt  }
.Lfunc_end0:
.L_simem_size_0:
called_computation.1_lowered:
.L_overlay_start_0:
0x88: {  	s2 =	sld [smem:$0x3FD9]  }
0x89: {  	s3 =	sld [smem:$0x3FFE];
	_ =	sdelay $0x1  }
0x8a: {  	s1 =	srdreg.scid  }
0x8b: {  	s0 =	sand.u32 $0x1, s1  }
0x8c: {  	s16 =	sshll.u32 s0, $0xA;
	s2 =	sadd.s32 s3, s2  }
0x8d: {  	s2 =	sadd.s32 s2, s16  }
0x8e: {  	[smem:$0x3FC0] =	sst s2  }
0x8f: {  	_ = 	snop  }
0x90: {  	(tm) =	ssettm $0x1  }
0x91: {  	s17 =	sld [smem:$0x3FFB];
	_ =	sdelay $0x3  }
0x92: {  	_ =	strace s17  }
0x93: {  	s2 =	sld [smem:$0x3FFC];
	_ =	sdelay $0x3  }
0x94: {  	_ =	strace s2  }
0x95: {  	s2 =	sld [smem:$0x3FFD];
	_ =	sdelay $0x3  }
0x96: {  	_ =	strace s2  }
0x97: {  	_ =	strace $0x8FFFFFFF  }
0x98: {  	s18 =	sld [smem:$0x3FDB];
	_ =	sdelay $0x1  }
0x99: {  	s19 =	simm.s32 $_scs_section_size  }
0x9a: {  	s4 =	simm.s32 $_size__tile_overlayer_lowered;
	s5 =	simm.s32 $_tile_overlayer_lowered  }
0x9b: {  	s22 =	simm.s32 $0x1BFF;
	s21 =	sshll.u32 s5, $0x1;
	s2 =	sadd.s32 s19, s18  }
0x9c: {  	s6 =	simm.s32 $0x0;
	s20 =	sshll.u32 s4, $0x1;
	s4 =	sadd.s32 s21, s2  }
0x9d: {  	[timem:s6], [sflag:s22] =	dma.local [hbm:s4], s20  }
0x9e: {  	_ =	swait.ge [sflag:s22], s20  }
0x9f: {  	s3 =	ssub.s32 $0x0, s20;
	[sflag:s22] =	ssyncset.done $0x0  }
0xa0: {  	[sflag:s22] =	ssyncadd.s32 s3;
	_ =	sdelay $0x1  }
0xa1: {  	s23 =	simm.s32 $0x1B8B  }
0xa2: {  	_ =	swait.ge [sflag:s23], $0x1  }
0xa3: {  	[sflag:s23] =	ssyncset.done $0x0  }
0xa4: {  	s25 =	simm.s32 $0x1B8E;
	s24 =	sld [smem:$0x3FFE];
	[sflag:s23] =	ssyncadd.s32 $0xFFFFFFFF  }
0xa5: {  	s26 =	simm.s32 $execute0_lowered;
	[smem:$0x3FD2] =	sst s25  }
0xa6: {  	s4 =	sshll.u32 s26, $0x1;
	_ =	strace $0x80000049;
	[dreg:$0x1] =	wrdreg $0xFFFFFFFF  }
0xa7: {  	s28 =	simm.s32 $_size_execute0_lowered;
	s2 =	sadd.s32 s2, s4;
	[dreg:$0x0] =	wrdreg $0x0  }
0xa8: {  	s4 =	sshll.u32 s28, $0x1;
	[dreg:$0x2] =	wrdreg s2  }
0xa9: {  	[dreg:$0x3] =	wrdreg s4  }
0xaa: {  	[dreg:$0x4] =	wrdreg $0xC0  }
0xab: {  	_ =	task [dreg:s6], $0x5FFFF  }
0xac: {  	[dreg:$0x1] =	wrdreg $0xFFFFFFFF  }
0xad: {  	[dreg:$0x0] =	wrdreg $0x60  }
0xae: {  	[dreg:$0x2] =	wrdreg s24  }
0xaf: {  	[dreg:$0x3] =	wrdreg $0xA9000  }
0xb0: {  	[dreg:$0x4] =	wrdreg $0x9  }
0xb1: {  	_ =	task.clear_ibuf [dreg:s6], $0x5FFFF;
	_ =	strace $0x90000049  }
0xb2: {  	s29 =	simm.s32 $0x9;
	_ =	strace $0x8000004B  }
0xb3: {  	_ =	swait.ge [sflag:s29], $0x1  }
0xb4: {  	[sflag:s29] =	ssyncadd.s32 $0xFFFFFFFF  }
0xb5: {  	_ =	strace $0x9000004B  }
0xb6: {  	_ =	sfence  }
0xb7: {  	s30 =	sld [smem:$0x0];
	_ =	sdelay $0x2  }
0xb8: {  	s31 =	sshll.u32 s1, $0xD;
	s1 =	sshrl.u32 s1, $0x2  }
0xb9: {  	s3 =	sand.u32 $0x4000, s31;
	s1 =	sadd.s32 s1, s30  }
0xba: {  	s0 =	sor.u32 s3, s0;
	s1 =	sshll.u32 s1, $0x11  }
0xbb: {  	s0 =	sor.u32 s1, s0  }
0xbc: {  	s0 =	sadd.s32 $0x8F2B, s0  }
0xbd: {  	[sflag:s0] =	ssyncadd.remote.s32 $0x1  }
0xbe: {  	_ =	sfence.sel $0xFFFF  }
0xbf: {  	[dreg:$0x0] =	wrdreg $0xFFFFFFFF;
	(pc) =	sbr.abs _section_cstart, $3  }
0xc0: {  	[dreg:$0x1] =	wrdreg $0xFFFFFFFF  }
0xc1: {  	_ =	task.clear_ibuf [dreg:s6], $0x2FFFF;
	_ =	strace $0x9FFFFFFF  }
0xc2: {  	(tm) =	ssettm $0x7FFFFFFF  }
0xc3: {  	_ =	shalt  }
tec
execute0_lowered:
.L_overlay_start_1:
0x0: {  	(tag) =	ssettag $0x1  }
0x1: {  	s0 =	srdreg.scid;
	s1 =	rddreg [dreg:$0x0]  }
0x2: {  	s16 =	stileid.u32;
	s2 =	rddreg [dreg:$0x1];
	s3 =	simm.s32 $0x0  }
0x3: {  	s14 =	simm.s32 $0x7;
	s18 =	simm.s32 $0x2800;
	s7 =	smul.u32 $0x2800, s16  }
0x4: {  	s19 =	simm.s32 $0x80;
	s20 =	simm.s32 $0x2900;
	s8 =	smul.u32 $0x4E000, s16  }
0x5: {  	s21 =	simm.s32 $0x2880;
	s22 =	simm.s32 $0x6900;
	s23 =	smul.u32 $0x2700, s16  }
0x6: {  	s28 =	simm.s32 $0x2;
	s29 =	simm.s32 $0x4;
	s24 =	smul.u32 $0x13800, s16  }
0x7: {  	s30 =	simm.s32 $0x0;
	s0 =	sand.u32 $0x1, s0;
	s31 =	smul.u32 $0x500, s16  }
0x8: {  	[smem:$0x7FF] =	sst s3;
	s13 =	sadd.s32 $0x2600, s1;
	s4 =	smul.u32 $0x28000, s0  }
0x9: {  	s15 =	sadd.s32 $0x124800, s2;
	p0 =	seq.s32 s16, $0xF;
	s10 =	smul.u32 $0x27100, s0  }
0xa: {  	_ =	strace $0x8000004A;
	s6 =	ssub.s32 $0x2, s0;
	s0 =	smul.u32 $0x138800, s0  }
0xb: {  	s15 =	sshrl.u32 @p0 s15, $0x3;
	s9 =	sshrl.u32 s6, $0x1;
	s8 =	sshrl.u32 s8, $0x2  }
0xc: {  	s26 =	sshrl.u32 s7, $0x3;
	s5 =	sadd.s32 s7, s4;
	s4 =	sadd.s32 $0x7600, s1  }
0xd: {  	s12 =	ssub.s32 s6, s9;
	s17 =	sadd.s32 s8, s2;
	s6 =	sadd.s32 s23, s10  }
0xe: {  	s25 =	sshrl.u32 s0, $0x3;
	s0 =	sadd.s32 s24, s0;
	s8 =	sadd.s32 s13, s26  }
0xf: {  	s13 =	sadd.s32 s31, s13;
	s23 =	simm.s32 $0x5;
	s24 =	simm.s32 $0x1  }
0x10: {  	s26 =	simm.s32 $0x6;
	s5 =	sshrl.u32 s5, $0x3;
	s6 =	sadd.s32 s4, s6  }
0x11: {  	s11 =	sadd.s32 $0x24900, s25;
	s0 =	sshrl.u32 s0, $0x3;
	s9 =	sadd.s32 $0x10, s8  }
0x12: {  	s12 =	smax.u32 s12, $0x1;
	s17 =	sshrl.u32 @!p0 s17, $0x3;
	s25 =	simm.s32 $0x3  }
0x13: {  	s5 =	sadd.s32 s5, s1;
	s1 =	sadd.s32 $0x55800, s1;
	s7 =	sadd.s32 s4, s11  }
0x14: {  	s5 =	sadd.s32 $0xCB400, s5;
	s10 =	sadd.s32 s1, s0;
	s0 =	sshll.u32 @!p0 s16, $0x6  }
0x15: {  	s11 =	sadd.s32 s1, s11;
	[dreg:$0x3] =	wrdreg s5;
	s16 =	sor.u32 @!p0 $0x1C07, s0  }
.LBB2_1:
0x16: {  	s0 =	rddreg [dreg:$0x3]  }
0x17: {  	[tilespmem:s3], [sflag:$0x7] =	stream.linear.gather [hbm4b:s0+s3], $0x2800, $0x38;
	[tilespmem:$0x1E1C0] =	vst v63  }
0x18: {  	_ =	swait.ge [sflag:s14], $0x2800  }
0x19: {  	[sflag:s14] =	ssyncset.done $0x0  }
0x1a: {  	s0 =	simm.s32 @p0 $0x1FC7;
	[sflag:s14] =	ssyncadd.s32 $0xFFFFD800  }
0x1b: {  	[spmem:s15], [sflag:s0] =	dma.local @p0 [hbm:s7], $0x2800  }
0x1c: {  	s0 =	simm.s32 @p0 $0x7  }
0x1d: {  	_ =	swait.ge @p0 [sflag:s0], $0x2800  }
0x1e: {  	[sflag:s0] =	ssyncset.done @p0 $0x0  }
0x1f: {  	[sflag:s0] =	ssyncadd.s32 @p0 $0xFFFFD800;
	s0 =	simm.s32 @!p0 $0x7  }
0x20: {  	[spmem:s17], [sflag:s16] =	dma.local @!p0 [hbm:s6], $0x2700  }
0x21: {  	_ =	swait.ge @!p0 [sflag:s0], $0x2700  }
0x22: {  	[sflag:s0] =	ssyncset.done @!p0 $0x0  }
0x23: {  	[sflag:s0] =	ssyncadd.s32 @!p0 $0xFFFFD900  }
0x24: {  	[bflag:$0x0] =	sbarrier.arrive $0xFFFF  }
0x25: {  	[tilespmem:s18], [sflag:$0x5] =	stream.linear.gather [hbm4b:s8+s3], $0x80, $0x38;
	[tilespmem:$0x1E1C0] =	vst v63  }
0x26: {  	_ = 	snop  }
0x27: {  	[tilespmem:s20], [sflag:$0x1] =	stream.indirect.gather [hbm4b:s4+s19], $0x80, s3, s19, $0xb8;
	[tilespmem:$0x1E1C0] =	vst v63  }
0x28: {  	_ = 	snop  }
0x29: {  	[tilespmem:s21], [sflag:$0x6] =	stream.linear.gather [hbm4b:s9+s3], $0x80, $0x38;
	[tilespmem:$0x1E1C0] =	vst v63  }
0x2a: {  	_ = 	snop  }
0x2b: {  	[tilespmem:s22], [sflag:$0x2] =	stream.indirect.gather [hbm4b:s4+s19], $0x80, s19, s19, $0xb8;
	[tilespmem:$0x1E1C0] =	vst v63  }
0x2c: {  	_ =	swait.ge [sflag:s23], $0x80  }
0x2d: {  	[sflag:s23] =	ssyncset.done $0x0  }
0x2e: {  	[sflag:s23] =	ssyncadd.s32 $0xFFFFFF80  }
0x2f: {  	_ =	swait.ge [sflag:s24], $0x4000  }
0x30: {  	[sflag:s24] =	ssyncset.done $0x0  }
0x31: {  	[sflag:s24] =	ssyncadd.s32 $0xFFFFC000  }
0x32: {  	[spmem:s2] =	stream.indirect.scatter.add.f32 [tilespmem:s20], [sflag:$0x3], $0x80, s18, s19, $0xb8;
	[tilespmem:$0x1E1C0] =	vst v63  }
0x33: {  	_ =	swait.ge [sflag:s25], $0x4000  }
0x34: {  	s0 =	sadd.s32 $0xFFFFFB20, s13;
	[sflag:s25] =	ssyncset.done $0x0  }
0x35: {  	s1 =	sadd.s32 $0x500, s0;
	[sflag:s25] =	ssyncadd.s32 $0xFFFFC000  }
0x36: {  	[tilespmem:s18], [sflag:$0x5] =	stream.linear.gather [hbm4b:s1+s3], $0x80, $0x38;
	[tilespmem:$0x1E1C0] =	vst v63  }
0x37: {  	s5 =	simm.s32 $0x100  }
0x38: {  	[tilespmem:s20], [sflag:$0x1] =	stream.indirect.gather [hbm4b:s4+s19], $0x80, s5, s19, $0xb8;
	[tilespmem:$0x1E1C0] =	vst v63  }
0x39: {  	_ =	swait.ge [sflag:s26], $0x80  }
0x3a: {  	[sflag:s26] =	ssyncset.done $0x0  }
0x3b: {  	[sflag:s26] =	ssyncadd.s32 $0xFFFFFF80  }
0x3c: {  	_ =	swait.ge [sflag:s28], $0x4000  }
0x3d: {  	[sflag:s28] =	ssyncset.done $0x0  }
0x3e: {  	[sflag:s28] =	ssyncadd.s32 $0xFFFFC000  }
0x3f: {  	[spmem:s2] =	stream.indirect.scatter.add.f32 [tilespmem:s22], [sflag:$0x4], $0x80, s21, s19, $0xb8;
	[tilespmem:$0x1E1C0] =	vst v63  }
0x40: {  	_ =	swait.ge [sflag:s29], $0x4000  }
0x41: {  	[sflag:s29] =	ssyncset.done $0x0  }
0x42: {  	s0 =	sadd.s32 $0x510, s0;
	[sflag:s29] =	ssyncadd.s32 $0xFFFFC000  }
0x43: {  	[tilespmem:s21], [sflag:$0x6] =	stream.linear.gather [hbm4b:s0+s3], $0x80, $0x38;
	[tilespmem:$0x1E1C0] =	vst v63  }
0x44: {  	s31 =	simm.s32 $0xFFFFFB40;
	s1 =	simm.s32 $0x200;
	s0 =	simm.s32 $0x180  }
.LBB2_2:
0x45: {  	[tilespmem:s22], [sflag:$0x2] =	stream.indirect.gather [hbm4b:s4+s19], $0x80, s0, s19, $0xb8;
	[tilespmem:$0x1E1C0] =	vst v63  }
0x46: {  	s0 =	smov.u32 s31  }
0x47: {  	p1 =	sne.s32 s31, $0xFFFFFFE0;
	s31 =	sadd.s32 $0x20, s31;
	_ =	swait.ge [sflag:s23], $0x80  }
0x48: {  	[sflag:s23] =	ssyncset.done $0x0  }
0x49: {  	[sflag:s23] =	ssyncadd.s32 $0xFFFFFF80  }
0x4a: {  	_ =	swait.ge [sflag:s24], $0x4000  }
0x4b: {  	[sflag:s24] =	ssyncset.done $0x0  }
0x4c: {  	[sflag:s24] =	ssyncadd.s32 $0xFFFFC000  }
0x4d: {  	[spmem:s2] =	stream.indirect.scatter.add.f32 [tilespmem:s20], [sflag:$0x3], $0x80, s18, s19, $0xb8;
	[tilespmem:$0x1E1C0] =	vst v63  }
0x4e: {  	_ =	swait.ge [sflag:s25], $0x4000  }
0x4f: {  	s0 =	sadd.s32 s0, s13;
	[sflag:s25] =	ssyncset.done $0x0  }
0x50: {  	s5 =	sadd.s32 $0x500, s0;
	[sflag:s25] =	ssyncadd.s32 $0xFFFFC000  }
0x51: {  	[tilespmem:s18], [sflag:$0x5] =	stream.linear.gather [hbm4b:s5+s3], $0x80, $0x38;
	[tilespmem:$0x1E1C0] =	vst v63  }
0x52: {  	_ = 	snop  }
0x53: {  	[tilespmem:s20], [sflag:$0x1] =	stream.indirect.gather [hbm4b:s4+s19], $0x80, s1, s19, $0xb8;
	[tilespmem:$0x1E1C0] =	vst v63  }
0x54: {  	_ =	swait.ge [sflag:s26], $0x80  }
0x55: {  	[sflag:s26] =	ssyncset.done $0x0  }
0x56: {  	[sflag:s26] =	ssyncadd.s32 $0xFFFFFF80  }
0x57: {  	_ =	swait.ge [sflag:s28], $0x4000  }
0x58: {  	[sflag:s28] =	ssyncset.done $0x0  }
0x59: {  	[sflag:s28] =	ssyncadd.s32 $0xFFFFC000  }
0x5a: {  	[spmem:s2] =	stream.indirect.scatter.add.f32 [tilespmem:s22], [sflag:$0x4], $0x80, s21, s19, $0xb8;
	[tilespmem:$0x1E1C0] =	vst v63  }
.Ltmp0:
0x5b: {  	_ =	swait.ge [sflag:s29], $0x4000;
	(pc) =	sbr.rel @p1 .LBB2_2-.Ltmp0, $4  }
0x5c: {  	[sflag:s29] =	ssyncset.done $0x0  }
0x5d: {  	s0 =	sadd.s32 $0x510, s0;
	[sflag:s29] =	ssyncadd.s32 $0xFFFFC000  }
0x5e: {  	[tilespmem:s21], [sflag:$0x6] =	stream.linear.gather [hbm4b:s0+s3], $0x80, $0x38;
	[tilespmem:$0x1E1C0] =	vst v63  }
0x5f: {  	s0 =	sadd.s32 $0x80, s1;
	s1 =	sadd.s32 $0x100, s1  }
0x60: {  	[tilespmem:s22], [sflag:$0x2] =	stream.indirect.gather [hbm4b:s4+s19], $0x80, s0, s19, $0xb8;
	[tilespmem:$0x1E1C0] =	vst v63  }
0x61: {  	_ =	swait.ge [sflag:s23], $0x80  }
0x62: {  	[sflag:s23] =	ssyncset.done $0x0  }
0x63: {  	[sflag:s23] =	ssyncadd.s32 $0xFFFFFF80  }
0x64: {  	_ =	swait.ge [sflag:s24], $0x4000  }
0x65: {  	[sflag:s24] =	ssyncset.done $0x0  }
0x66: {  	[sflag:s24] =	ssyncadd.s32 $0xFFFFC000  }
0x67: {  	[spmem:s2] =	stream.indirect.scatter.add.f32 [tilespmem:s20], [sflag:$0x3], $0x80, s18, s19, $0xb8;
	[tilespmem:$0x1E1C0] =	vst v63  }
0x68: {  	_ =	swait.ge [sflag:s25], $0x4000  }
0x69: {  	[sflag:s25] =	ssyncset.done $0x0  }
0x6a: {  	[sflag:s25] =	ssyncadd.s32 $0xFFFFC000  }
0x6b: {  	_ =	swait.ge [sflag:s26], $0x80  }
0x6c: {  	[sflag:s26] =	ssyncset.done $0x0  }
0x6d: {  	[sflag:s26] =	ssyncadd.s32 $0xFFFFFF80  }
0x6e: {  	_ =	swait.ge [sflag:s28], $0x4000  }
0x6f: {  	[sflag:s28] =	ssyncset.done $0x0  }
0x70: {  	[sflag:s28] =	ssyncadd.s32 $0xFFFFC000  }
0x71: {  	[spmem:s2] =	stream.indirect.scatter.add.f32 [tilespmem:s22], [sflag:$0x4], $0x80, s21, s19, $0xb8;
	[tilespmem:$0x1E1C0] =	vst v63  }
0x72: {  	_ =	swait.ge [sflag:s29], $0x4000  }
0x73: {  	[sflag:s29] =	ssyncset.done $0x0  }
0x74: {  	[sflag:s29] =	ssyncadd.s32 $0xFFFFC000  }
0x75: {  	s0 =	simm.s32 @p0 $0x1FC7;
	[bflag:$0x0] =	sbarrier.arrive $0xFFFF  }
0x76: {  	[hbm:s11], [sflag:s0] =	dma.local @p0 [spmem:s15], $0x2800  }
0x77: {  	s0 =	simm.s32 @p0 $0x7  }
0x78: {  	s30 =	sadd.s32 $0x1, s30;
	_ =	swait.ge @p0 [sflag:s0], $0x2800  }
0x79: {  	p1 =	sne.s32 s30, s12;
	[sflag:s0] =	ssyncset.done @p0 $0x0  }
.Ltmp1:
0x7a: {  	[sflag:s0] =	ssyncadd.s32 @p0 $0xFFFFD800;
	s0 =	simm.s32 @!p0 $0x7;
	(pc) =	sbr.rel @p1 .LBB2_1-.Ltmp1, $4  }
0x7b: {  	[hbm:s10], [sflag:s16] =	dma.local @!p0 [spmem:s17], $0x2700  }
0x7c: {  	_ =	swait.ge @!p0 [sflag:s0], $0x2700  }
0x7d: {  	[sflag:s0] =	ssyncset.done @!p0 $0x0  }
0x7e: {  	[sflag:s0] =	ssyncadd.s32 @!p0 $0xFFFFD900  }
0x7f: {  	_ =	sfence.sel $0x180000  }
0x80: {  	[bflag:$0x0] =	sbarrier.arrive $0xFFFF  }
0x81: {  	_ =	strace $0x9000004A  }
0x82: {  	s0 =	stileid.u32;
	[bflag:$0x2] =	sbarrier.arrive $0xFFFF  }
0x83: {  	p0 =	sne.s32 s0, $0x0;
	s0 =	rddreg [dreg:$0x2]  }
0x84: {  	s0 =	sadd.s32 @!p0 $0x100000, s0  }
0x85: {  	[sflag:s0] =	ssyncadd.tile.s32 @!p0 $0x1;
	_ =	shalt  }
.Lfunc_end2:
_tile_overlayer_lowered:
.L_overlay_start_2:
0x86: {  	(tag) =	ssettag $0x2  }
0x87: {  	s0 =	rddreg [dreg:$0x0];
	s2 =	stileid.u32  }
0x88: {  	s1 =	rddreg [dreg:$0x1];
	p0 =	sne.s32 s2, $0x0  }
0x89: {  	s3 =	rddreg [dreg:$0x2];
	[bflag:$0x3] =	sbarrier.arrive $0xFFFF;
	s2 =	simm.s32 @!p0 $0x1C07  }
0x8a: {  	[timem:s3], [sflag:s2] =	dma.local @!p0 [hbm:s0], s1  }
0x8b: {  	s0 =	simm.s32 @!p0 $0x7  }
0x8c: {  	_ =	swait.ge @!p0 [sflag:s0], s1  }
0x8d: {  	s1 =	ssub.s32 @!p0 $0x0, s1;
	[sflag:s0] =	ssyncset.done @!p0 $0x0  }
0x8e: {  	[sflag:s0] =	ssyncadd.s32 @!p0 s1  }
0x8f: {  	[bflag:$0x3] =	sbarrier.arrive $0xFFFF  }
0x90: {  	_ =	shalt  }

// kernel: kernel.15.cloned.1.call-start
scs
__scs_entry_jumppad:
0x0: {  	(pc) =	sbr.rel $0x88, $3  }
0x1: {  	(tag) =	ssettag $0x0;
	lr =	simm.s32 $0x1  }
0x2: {  	[smem:$0x3F99] =	sst lr;
	_ =	strace $0xD0000000  }
0x3: {  	_ = 	snop  }
0x4: {  	_ = 	snop  }
0x5: {  	_ = 	snop  }
0x6: {  	_ = 	snop  }
0x7: {  	_ = 	snop  }
__scs_overlays_trampoline_lowered:
0x8: {  	[smem:$0x3FA8] =	sst s0  }
0x9: {  	[smem:$0x3FA9] =	sst s1  }
0xa: {  	[smem:$0x3FAA] =	sst s2  }
0xb: {  	[smem:$0x3FAB] =	sst s3  }
0xc: {  	[smem:$0x3FAC] =	sst s4  }
0xd: {  	[smem:$0x3FAD] =	sst s5  }
0xe: {  	[smem:$0x3FAE] =	sst s6  }
0xf: {  	[smem:$0x3FAF] =	sst s7  }
0x10: {  	[smem:$0x3FB0] =	sst s8  }
0x11: {  	[smem:$0x3FB1] =	sst s9;
	s0 =	simm.s32 @!p0 $0x0  }
0x12: {  	s1 =	sld [smem:$0x3F97];
	s0 =	simm.s32 @p0 $0x1  }
0x13: {  	[smem:$0x3FB2] =	sst s0;
	s0 =	simm.s32 @!p1 $0x0  }
0x14: {  	s2 =	sld [smem:$0x3F96];
	s0 =	simm.s32 @p1 $0x1  }
0x15: {  	[smem:$0x3FB3] =	sst s0;
	s0 =	simm.s32 @!p2 $0x0  }
0x16: {  	s3 =	sld [smem:$0x3FDB];
	s0 =	simm.s32 @p2 $0x1  }
0x17: {  	s4 =	simm.s32 $0x1BF5;
	[smem:$0x3FB5] =	sst s0  }
0x18: {  	s0 =	sld [smem:$0x3F98];
	_ =	swait.ge [sflag:s4], $0x0  }
0x19: {  	s7 =	sld [smem:$0x3F99]  }
0x1a: {  	s8 =	sadd.s32 $0xFFFFE003, lr  }
0x1b: {  	s9 =	sadd.s32 $0xFFFFFEF7, lr;
	s5 =	simm.s32 $0xFFFFFFFF;
	p2 =	slt.u32 s8, $0xFFFFF086  }
0x1c: {  	p1 =	slt.u32 s9, $0xF7A;
	s5 =	simm.s32 @!p2 $0x0  }
0x1d: {  	s5 =	simm.s32 @p1 $0x1;
	p0 =	seq.s32 s7, s2  }
0x1e: {  	s7 =	smul.u32 @!p0 $0xF7A, s2;
	p2 =	seq.s32 @!p0 s5, $0x0  }
0x1f: {  	s9 =	smul.u32 $0xF7A, s1;
	s8 =	simm.s32 @!p0 $0x1BF5;
	p2 =	por !p2, p0  }
0x20: {  	[sflag:s8] =	ssyncset.s32 @!p0 $0xFFFFF086;
	s6 =	sadd.s32 @!p0 s3, s7;
	s7 =	simm.s32 @!p0 $0x108  }
0x21: {  	s3 =	sadd.s32 s3, s9;
	s6 =	sadd.s32 @!p0 $0x88, s6;
	s7 =	simm.s32 @p2 $0x1082  }
0x22: {  	[simem:s7], [sflag:s8] =	dma.local @!p0 [hbm:s6], $0xF7A  }
0x23: {  	s9 =	sor.u32 $0xD0000000, s2;
	s6 =	simm.s32 $0x108;
	_ =	swait.ge @!p0 [sflag:s8], $0x0  }
0x24: {  	s3 =	sadd.s32 $0x88, s3;
	s6 =	simm.s32 @!p1 $0x1082;
	[sflag:s4] =	ssyncset.s32 $0xFFFFF086  }
0x25: {  	[simem:s6], [sflag:s4] =	dma.local [hbm:s3], $0xF7A  }
0x26: {  	[smem:$0x3F99] =	sst s1;
	(tag) =	ssettag s2;
	_ =	strace s9  }
0x27: {  	s1 =	sld [smem:$0x3FA9]  }
0x28: {  	s2 =	sld [smem:$0x3FAA]  }
0x29: {  	s4 =	sld [smem:$0x3FAC]  }
0x2a: {  	p0 =	seq.s32 s5, $0x0;
	s5 =	sld [smem:$0x3FAD]  }
0x2b: {  	s6 =	sld [smem:$0x3FAE]  }
0x2c: {  	s7 =	sld [smem:$0x3FAF]  }
0x2d: {  	s3 =	simm.s32 $0x108;
	s8 =	sld [smem:$0x3FB0]  }
0x2e: {  	s3 =	simm.s32 @!p0 $0x1082;
	s9 =	sld [smem:$0x3FB1]  }
0x2f: {  	lr =	sadd.s32 s0, s3;
	s0 =	sld [smem:$0x3FA8]  }
0x30: {  	s3 =	sld [smem:$0x3FAB]  }
0x31: {  	[smem:$0x3FB4] =	sst s10  }
0x32: {  	s10 =	sld [smem:$0x3FB2];
	_ =	sdelay $0x3  }
0x33: {  	p0 =	seq.s32 s10, $0x1;
	s10 =	sld [smem:$0x3FB4];
	_ =	sdelay $0x3  }
0x34: {  	[smem:$0x3FB4] =	sst s10  }
0x35: {  	s10 =	sld [smem:$0x3FB3];
	_ =	sdelay $0x3  }
0x36: {  	p1 =	seq.s32 s10, $0x1;
	s10 =	sld [smem:$0x3FB4];
	_ =	sdelay $0x3  }
0x37: {  	[smem:$0x3FB4] =	sst s10  }
0x38: {  	s10 =	sld [smem:$0x3FB5]  }
0x39: {  	_ = 	snop;
	(pc) =	sbr.ind lr, $3  }
0x3a: {  	_ = 	snop  }
0x3b: {  	_ = 	snop  }
0x3c: {  	p2 =	seq.s32 s10, $0x1;
	s10 =	sld [smem:$0x3FB4]  }
0x3d: {  	_ =	shalt  }
0x3e: {  	_ =	shalt  }
0x3f: {  	_ =	shalt  }
0x40: {  	_ =	shalt  }
0x41: {  	_ =	shalt  }
0x42: {  	_ =	shalt  }
0x43: {  	_ =	shalt  }
0x44: {  	_ =	shalt  }
0x45: {  	_ =	shalt  }
0x46: {  	_ =	shalt  }
0x47: {  	_ =	shalt  }
0x48: {  	_ =	shalt  }
0x49: {  	_ =	shalt  }
0x4a: {  	_ =	shalt  }
0x4b: {  	_ =	shalt  }
0x4c: {  	_ =	shalt  }
0x4d: {  	_ =	shalt  }
0x4e: {  	_ =	shalt  }
0x4f: {  	_ =	shalt  }
0x50: {  	_ =	shalt  }
0x51: {  	_ =	shalt  }
0x52: {  	_ =	shalt  }
0x53: {  	_ =	shalt  }
0x54: {  	_ =	shalt  }
0x55: {  	_ =	shalt  }
0x56: {  	_ =	shalt  }
0x57: {  	_ =	shalt  }
0x58: {  	_ =	shalt  }
0x59: {  	_ =	shalt  }
0x5a: {  	_ =	shalt  }
0x5b: {  	_ =	shalt  }
0x5c: {  	_ =	shalt  }
0x5d: {  	_ =	shalt  }
0x5e: {  	_ =	shalt  }
0x5f: {  	_ =	shalt  }
0x60: {  	_ =	shalt  }
0x61: {  	_ =	shalt  }
0x62: {  	_ =	shalt  }
0x63: {  	_ =	shalt  }
0x64: {  	_ =	shalt  }
0x65: {  	_ =	shalt  }
0x66: {  	_ =	shalt  }
0x67: {  	_ =	shalt  }
0x68: {  	_ =	shalt  }
0x69: {  	_ =	shalt  }
0x6a: {  	_ =	shalt  }
0x6b: {  	_ =	shalt  }
0x6c: {  	_ =	shalt  }
0x6d: {  	_ =	shalt  }
0x6e: {  	_ =	shalt  }
0x6f: {  	_ =	shalt  }
0x70: {  	_ =	shalt  }
0x71: {  	_ =	shalt  }
0x72: {  	_ =	shalt  }
0x73: {  	_ =	shalt  }
0x74: {  	_ =	shalt  }
0x75: {  	_ =	shalt  }
0x76: {  	_ =	shalt  }
0x77: {  	_ =	shalt  }
0x78: {  	_ =	shalt  }
0x79: {  	_ =	shalt  }
0x7a: {  	_ =	shalt  }
0x7b: {  	_ =	shalt  }
0x7c: {  	_ =	shalt  }
0x7d: {  	_ =	shalt  }
0x7e: {  	_ =	shalt  }
0x7f: {  	_ =	shalt  }
0x80: {  	_ =	shalt  }
0x81: {  	_ =	shalt  }
0x82: {  	_ =	shalt  }
0x83: {  	_ =	shalt  }
0x84: {  	_ =	shalt  }
0x85: {  	_ =	shalt  }
0x86: {  	_ =	shalt  }
0x87: {  	_ =	shalt  }
.Lfunc_end0:
.L_simem_size_0:
called_computation.2_lowered:
.L_overlay_start_0:
0x88: {  	s2 =	sld [smem:$0x3FD9]  }
0x89: {  	s3 =	sld [smem:$0x3FFE];
	_ =	sdelay $0x1  }
0x8a: {  	s1 =	srdreg.scid  }
0x8b: {  	s0 =	sand.u32 $0x1, s1  }
0x8c: {  	s16 =	sshll.u32 s0, $0xA;
	s2 =	sadd.s32 s3, s2  }
0x8d: {  	s2 =	sadd.s32 s2, s16  }
0x8e: {  	[smem:$0x3FC0] =	sst s2  }
0x8f: {  	_ = 	snop  }
0x90: {  	(tm) =	ssettm $0x1  }
0x91: {  	s17 =	sld [smem:$0x3FFB];
	_ =	sdelay $0x3  }
0x92: {  	_ =	strace s17  }
0x93: {  	s2 =	sld [smem:$0x3FFC];
	_ =	sdelay $0x3  }
0x94: {  	_ =	strace s2  }
0x95: {  	s2 =	sld [smem:$0x3FFD];
	_ =	sdelay $0x3  }
0x96: {  	_ =	strace s2  }
0x97: {  	_ =	strace $0x8FFFFFFF  }
0x98: {  	s18 =	sld [smem:$0x3FDB];
	_ =	sdelay $0x1  }
0x99: {  	s19 =	simm.s32 $_scs_section_size  }
0x9a: {  	s4 =	simm.s32 $_size__tile_overlayer_lowered;
	s5 =	simm.s32 $_tile_overlayer_lowered  }
0x9b: {  	s22 =	simm.s32 $0x1BFF;
	s21 =	sshll.u32 s5, $0x1;
	s2 =	sadd.s32 s19, s18  }
0x9c: {  	s6 =	simm.s32 $0x0;
	s20 =	sshll.u32 s4, $0x1;
	s4 =	sadd.s32 s21, s2  }
0x9d: {  	[timem:s6], [sflag:s22] =	dma.local [hbm:s4], s20  }
0x9e: {  	_ =	swait.ge [sflag:s22], s20  }
0x9f: {  	s3 =	ssub.s32 $0x0, s20;
	[sflag:s22] =	ssyncset.done $0x0  }
0xa0: {  	[sflag:s22] =	ssyncadd.s32 s3;
	_ =	sdelay $0x1  }
0xa1: {  	s23 =	simm.s32 $0x1B8B  }
0xa2: {  	_ =	swait.ge [sflag:s23], $0x1  }
0xa3: {  	[sflag:s23] =	ssyncset.done $0x0  }
0xa4: {  	s25 =	simm.s32 $0x1B8E;
	s24 =	sld [smem:$0x3FFE];
	[sflag:s23] =	ssyncadd.s32 $0xFFFFFFFF  }
0xa5: {  	s26 =	simm.s32 $execute0_lowered;
	[smem:$0x3FD2] =	sst s25  }
0xa6: {  	s4 =	sshll.u32 s26, $0x1;
	_ =	strace $0x8000004C;
	[dreg:$0x1] =	wrdreg $0xFFFFFFFF  }
0xa7: {  	s28 =	simm.s32 $_size_execute0_lowered;
	s2 =	sadd.s32 s2, s4;
	[dreg:$0x0] =	wrdreg $0x0  }
0xa8: {  	s4 =	sshll.u32 s28, $0x1;
	[dreg:$0x2] =	wrdreg s2  }
0xa9: {  	[dreg:$0x3] =	wrdreg s4  }
0xaa: {  	[dreg:$0x4] =	wrdreg $0xC0  }
0xab: {  	_ =	task [dreg:s6], $0x5FFFF  }
0xac: {  	[dreg:$0x1] =	wrdreg $0xFFFFFFFF  }
0xad: {  	[dreg:$0x0] =	wrdreg $0x60  }
0xae: {  	[dreg:$0x2] =	wrdreg s24  }
0xaf: {  	[dreg:$0x3] =	wrdreg $0xA9000  }
0xb0: {  	[dreg:$0x4] =	wrdreg $0x9  }
0xb1: {  	_ =	task.clear_ibuf [dreg:s6], $0x5FFFF;
	_ =	strace $0x9000004C  }
0xb2: {  	s29 =	simm.s32 $0x9;
	_ =	strace $0x8000004E  }
0xb3: {  	_ =	swait.ge [sflag:s29], $0x1  }
0xb4: {  	[sflag:s29] =	ssyncadd.s32 $0xFFFFFFFF  }
0xb5: {  	_ =	strace $0x9000004E  }
0xb6: {  	_ =	sfence  }
0xb7: {  	s30 =	sld [smem:$0x0];
	_ =	sdelay $0x2  }
0xb8: {  	s31 =	sshll.u32 s1, $0xD;
	s1 =	sshrl.u32 s1, $0x2  }
0xb9: {  	s3 =	sand.u32 $0x4000, s31;
	s1 =	sadd.s32 s1, s30  }
0xba: {  	s0 =	sor.u32 s3, s0;
	s1 =	sshll.u32 s1, $0x11  }
0xbb: {  	s0 =	sor.u32 s1, s0  }
0xbc: {  	s0 =	sadd.s32 $0x8F2B, s0  }
0xbd: {  	[sflag:s0] =	ssyncadd.remote.s32 $0x1  }
0xbe: {  	_ =	sfence.sel $0xFFFF  }
0xbf: {  	[dreg:$0x0] =	wrdreg $0xFFFFFFFF;
	(pc) =	sbr.abs _section_cstart, $3  }
0xc0: {  	[dreg:$0x1] =	wrdreg $0xFFFFFFFF  }
0xc1: {  	_ =	task.clear_ibuf [dreg:s6], $0x2FFFF;
	_ =	strace $0x9FFFFFFF  }
0xc2: {  	(tm) =	ssettm $0x7FFFFFFF  }
0xc3: {  	_ =	shalt  }
tec
execute0_lowered:
.L_overlay_start_1:
0x0: {  	(tag) =	ssettag $0x1  }
0x1: {  	s0 =	srdreg.scid;
	s1 =	rddreg [dreg:$0x0]  }
0x2: {  	s16 =	stileid.u32;
	s2 =	rddreg [dreg:$0x1];
	s3 =	simm.s32 $0x0  }
0x3: {  	s14 =	simm.s32 $0x7;
	s18 =	simm.s32 $0x2800;
	s7 =	smul.u32 $0x2800, s16  }
0x4: {  	s19 =	simm.s32 $0x80;
	s20 =	simm.s32 $0x2900;
	s8 =	smul.u32 $0x4E000, s16  }
0x5: {  	s21 =	simm.s32 $0x2880;
	s22 =	simm.s32 $0x6900;
	s23 =	smul.u32 $0x2700, s16  }
0x6: {  	s28 =	simm.s32 $0x2;
	s29 =	simm.s32 $0x4;
	s24 =	smul.u32 $0x13800, s16  }
0x7: {  	s30 =	simm.s32 $0x0;
	s0 =	sand.u32 $0x1, s0;
	s31 =	smul.u32 $0x500, s16  }
0x8: {  	[smem:$0x7FF] =	sst s3;
	s13 =	sadd.s32 $0x2600, s1;
	s4 =	smul.u32 $0x28000, s0  }
0x9: {  	s15 =	sadd.s32 $0x124800, s2;
	p0 =	seq.s32 s16, $0xF;
	s10 =	smul.u32 $0x27100, s0  }
0xa: {  	_ =	strace $0x8000004D;
	s6 =	ssub.s32 $0x2, s0;
	s0 =	smul.u32 $0x138800, s0  }
0xb: {  	s15 =	sshrl.u32 @p0 s15, $0x3;
	s9 =	sshrl.u32 s6, $0x1;
	s8 =	sshrl.u32 s8, $0x2  }
0xc: {  	s26 =	sshrl.u32 s7, $0x3;
	s5 =	sadd.s32 s7, s4;
	s4 =	sadd.s32 $0x7600, s1  }
0xd: {  	s12 =	ssub.s32 s6, s9;
	s17 =	sadd.s32 s8, s2;
	s6 =	sadd.s32 s23, s10  }
0xe: {  	s25 =	sshrl.u32 s0, $0x3;
	s0 =	sadd.s32 s24, s0;
	s8 =	sadd.s32 s13, s26  }
0xf: {  	s13 =	sadd.s32 s31, s13;
	s23 =	simm.s32 $0x5;
	s24 =	simm.s32 $0x1  }
0x10: {  	s26 =	simm.s32 $0x6;
	s5 =	sshrl.u32 s5, $0x3;
	s6 =	sadd.s32 s4, s6  }
0x11: {  	s11 =	sadd.s32 $0x24900, s25;
	s0 =	sshrl.u32 s0, $0x3;
	s9 =	sadd.s32 $0x10, s8  }
0x12: {  	s12 =	smax.u32 s12, $0x1;
	s17 =	sshrl.u32 @!p0 s17, $0x3;
	s25 =	simm.s32 $0x3  }
0x13: {  	s5 =	sadd.s32 s5, s1;
	s1 =	sadd.s32 $0x55800, s1;
	s7 =	sadd.s32 s4, s11  }
0x14: {  	s5 =	sadd.s32 $0xCB400, s5;
	s10 =	sadd.s32 s1, s0;
	s0 =	sshll.u32 @!p0 s16, $0x6  }
0x15: {  	s11 =	sadd.s32 s1, s11;
	[dreg:$0x3] =	wrdreg s5;
	s16 =	sor.u32 @!p0 $0x1C07, s0  }
.LBB2_1:
0x16: {  	s0 =	rddreg [dreg:$0x3]  }
0x17: {  	[tilespmem:s3], [sflag:$0x7] =	stream.linear.gather [hbm4b:s0+s3], $0x2800, $0x38;
	[tilespmem:$0x1E1C0] =	vst v63  }
0x18: {  	_ =	swait.ge [sflag:s14], $0x2800  }
0x19: {  	[sflag:s14] =	ssyncset.done $0x0  }
0x1a: {  	s0 =	simm.s32 @p0 $0x1FC7;
	[sflag:s14] =	ssyncadd.s32 $0xFFFFD800  }
0x1b: {  	[spmem:s15], [sflag:s0] =	dma.local @p0 [hbm:s7], $0x2800  }
0x1c: {  	s0 =	simm.s32 @p0 $0x7  }
0x1d: {  	_ =	swait.ge @p0 [sflag:s0], $0x2800  }
0x1e: {  	[sflag:s0] =	ssyncset.done @p0 $0x0  }
0x1f: {  	[sflag:s0] =	ssyncadd.s32 @p0 $0xFFFFD800;
	s0 =	simm.s32 @!p0 $0x7  }
0x20: {  	[spmem:s17], [sflag:s16] =	dma.local @!p0 [hbm:s6], $0x2700  }
0x21: {  	_ =	swait.ge @!p0 [sflag:s0], $0x2700  }
0x22: {  	[sflag:s0] =	ssyncset.done @!p0 $0x0  }
0x23: {  	[sflag:s0] =	ssyncadd.s32 @!p0 $0xFFFFD900  }
0x24: {  	[bflag:$0x0] =	sbarrier.arrive $0xFFFF  }
0x25: {  	[tilespmem:s18], [sflag:$0x5] =	stream.linear.gather [hbm4b:s8+s3], $0x80, $0x38;
	[tilespmem:$0x1E1C0] =	vst v63  }
0x26: {  	_ = 	snop  }
0x27: {  	[tilespmem:s20], [sflag:$0x1] =	stream.indirect.gather [hbm4b:s4+s19], $0x80, s3, s19, $0xb8;
	[tilespmem:$0x1E1C0] =	vst v63  }
0x28: {  	_ = 	snop  }
0x29: {  	[tilespmem:s21], [sflag:$0x6] =	stream.linear.gather [hbm4b:s9+s3], $0x80, $0x38;
	[tilespmem:$0x1E1C0] =	vst v63  }
0x2a: {  	_ = 	snop  }
0x2b: {  	[tilespmem:s22], [sflag:$0x2] =	stream.indirect.gather [hbm4b:s4+s19], $0x80, s19, s19, $0xb8;
	[tilespmem:$0x1E1C0] =	vst v63  }
0x2c: {  	_ =	swait.ge [sflag:s23], $0x80  }
0x2d: {  	[sflag:s23] =	ssyncset.done $0x0  }
0x2e: {  	[sflag:s23] =	ssyncadd.s32 $0xFFFFFF80  }
0x2f: {  	_ =	swait.ge [sflag:s24], $0x4000  }
0x30: {  	[sflag:s24] =	ssyncset.done $0x0  }
0x31: {  	[sflag:s24] =	ssyncadd.s32 $0xFFFFC000  }
0x32: {  	[spmem:s2] =	stream.indirect.scatter.add.f32 [tilespmem:s20], [sflag:$0x3], $0x80, s18, s19, $0xb8;
	[tilespmem:$0x1E1C0] =	vst v63  }
0x33: {  	_ =	swait.ge [sflag:s25], $0x4000  }
0x34: {  	s0 =	sadd.s32 $0xFFFFFB20, s13;
	[sflag:s25] =	ssyncset.done $0x0  }
0x35: {  	s1 =	sadd.s32 $0x500, s0;
	[sflag:s25] =	ssyncadd.s32 $0xFFFFC000  }
0x36: {  	[tilespmem:s18], [sflag:$0x5] =	stream.linear.gather [hbm4b:s1+s3], $0x80, $0x38;
	[tilespmem:$0x1E1C0] =	vst v63  }
0x37: {  	s5 =	simm.s32 $0x100  }
0x38: {  	[tilespmem:s20], [sflag:$0x1] =	stream.indirect.gather [hbm4b:s4+s19], $0x80, s5, s19, $0xb8;
	[tilespmem:$0x1E1C0] =	vst v63  }
0x39: {  	_ =	swait.ge [sflag:s26], $0x80  }
0x3a: {  	[sflag:s26] =	ssyncset.done $0x0  }
0x3b: {  	[sflag:s26] =	ssyncadd.s32 $0xFFFFFF80  }
0x3c: {  	_ =	swait.ge [sflag:s28], $0x4000  }
0x3d: {  	[sflag:s28] =	ssyncset.done $0x0  }
0x3e: {  	[sflag:s28] =	ssyncadd.s32 $0xFFFFC000  }
0x3f: {  	[spmem:s2] =	stream.indirect.scatter.add.f32 [tilespmem:s22], [sflag:$0x4], $0x80, s21, s19, $0xb8;
	[tilespmem:$0x1E1C0] =	vst v63  }
0x40: {  	_ =	swait.ge [sflag:s29], $0x4000  }
0x41: {  	[sflag:s29] =	ssyncset.done $0x0  }
0x42: {  	s0 =	sadd.s32 $0x510, s0;
	[sflag:s29] =	ssyncadd.s32 $0xFFFFC000  }
0x43: {  	[tilespmem:s21], [sflag:$0x6] =	stream.linear.gather [hbm4b:s0+s3], $0x80, $0x38;
	[tilespmem:$0x1E1C0] =	vst v63  }
0x44: {  	s31 =	simm.s32 $0xFFFFFB40;
	s1 =	simm.s32 $0x200;
	s0 =	simm.s32 $0x180  }
.LBB2_2:
0x45: {  	[tilespmem:s22], [sflag:$0x2] =	stream.indirect.gather [hbm4b:s4+s19], $0x80, s0, s19, $0xb8;
	[tilespmem:$0x1E1C0] =	vst v63  }
0x46: {  	s0 =	smov.u32 s31  }
0x47: {  	p1 =	sne.s32 s31, $0xFFFFFFE0;
	s31 =	sadd.s32 $0x20, s31;
	_ =	swait.ge [sflag:s23], $0x80  }
0x48: {  	[sflag:s23] =	ssyncset.done $0x0  }
0x49: {  	[sflag:s23] =	ssyncadd.s32 $0xFFFFFF80  }
0x4a: {  	_ =	swait.ge [sflag:s24], $0x4000  }
0x4b: {  	[sflag:s24] =	ssyncset.done $0x0  }
0x4c: {  	[sflag:s24] =	ssyncadd.s32 $0xFFFFC000  }
0x4d: {  	[spmem:s2] =	stream.indirect.scatter.add.f32 [tilespmem:s20], [sflag:$0x3], $0x80, s18, s19, $0xb8;
	[tilespmem:$0x1E1C0] =	vst v63  }
0x4e: {  	_ =	swait.ge [sflag:s25], $0x4000  }
0x4f: {  	s0 =	sadd.s32 s0, s13;
	[sflag:s25] =	ssyncset.done $0x0  }
0x50: {  	s5 =	sadd.s32 $0x500, s0;
	[sflag:s25] =	ssyncadd.s32 $0xFFFFC000  }
0x51: {  	[tilespmem:s18], [sflag:$0x5] =	stream.linear.gather [hbm4b:s5+s3], $0x80, $0x38;
	[tilespmem:$0x1E1C0] =	vst v63  }
0x52: {  	_ = 	snop  }
0x53: {  	[tilespmem:s20], [sflag:$0x1] =	stream.indirect.gather [hbm4b:s4+s19], $0x80, s1, s19, $0xb8;
	[tilespmem:$0x1E1C0] =	vst v63  }
0x54: {  	_ =	swait.ge [sflag:s26], $0x80  }
0x55: {  	[sflag:s26] =	ssyncset.done $0x0  }
0x56: {  	[sflag:s26] =	ssyncadd.s32 $0xFFFFFF80  }
0x57: {  	_ =	swait.ge [sflag:s28], $0x4000  }
0x58: {  	[sflag:s28] =	ssyncset.done $0x0  }
0x59: {  	[sflag:s28] =	ssyncadd.s32 $0xFFFFC000  }
0x5a: {  	[spmem:s2] =	stream.indirect.scatter.add.f32 [tilespmem:s22], [sflag:$0x4], $0x80, s21, s19, $0xb8;
	[tilespmem:$0x1E1C0] =	vst v63  }
.Ltmp0:
0x5b: {  	_ =	swait.ge [sflag:s29], $0x4000;
	(pc) =	sbr.rel @p1 .LBB2_2-.Ltmp0, $4  }
0x5c: {  	[sflag:s29] =	ssyncset.done $0x0  }
0x5d: {  	s0 =	sadd.s32 $0x510, s0;
	[sflag:s29] =	ssyncadd.s32 $0xFFFFC000  }
0x5e: {  	[tilespmem:s21], [sflag:$0x6] =	stream.linear.gather [hbm4b:s0+s3], $0x80, $0x38;
	[tilespmem:$0x1E1C0] =	vst v63  }
0x5f: {  	s0 =	sadd.s32 $0x80, s1;
	s1 =	sadd.s32 $0x100, s1  }
0x60: {  	[tilespmem:s22], [sflag:$0x2] =	stream.indirect.gather [hbm4b:s4+s19], $0x80, s0, s19, $0xb8;
	[tilespmem:$0x1E1C0] =	vst v63  }
0x61: {  	_ =	swait.ge [sflag:s23], $0x80  }
0x62: {  	[sflag:s23] =	ssyncset.done $0x0  }
0x63: {  	[sflag:s23] =	ssyncadd.s32 $0xFFFFFF80  }
0x64: {  	_ =	swait.ge [sflag:s24], $0x4000  }
0x65: {  	[sflag:s24] =	ssyncset.done $0x0  }
0x66: {  	[sflag:s24] =	ssyncadd.s32 $0xFFFFC000  }
0x67: {  	[spmem:s2] =	stream.indirect.scatter.add.f32 [tilespmem:s20], [sflag:$0x3], $0x80, s18, s19, $0xb8;
	[tilespmem:$0x1E1C0] =	vst v63  }
0x68: {  	_ =	swait.ge [sflag:s25], $0x4000  }
0x69: {  	[sflag:s25] =	ssyncset.done $0x0  }
0x6a: {  	[sflag:s25] =	ssyncadd.s32 $0xFFFFC000  }
0x6b: {  	_ =	swait.ge [sflag:s26], $0x80  }
0x6c: {  	[sflag:s26] =	ssyncset.done $0x0  }
0x6d: {  	[sflag:s26] =	ssyncadd.s32 $0xFFFFFF80  }
0x6e: {  	_ =	swait.ge [sflag:s28], $0x4000  }
0x6f: {  	[sflag:s28] =	ssyncset.done $0x0  }
0x70: {  	[sflag:s28] =	ssyncadd.s32 $0xFFFFC000  }
0x71: {  	[spmem:s2] =	stream.indirect.scatter.add.f32 [tilespmem:s22], [sflag:$0x4], $0x80, s21, s19, $0xb8;
	[tilespmem:$0x1E1C0] =	vst v63  }
0x72: {  	_ =	swait.ge [sflag:s29], $0x4000  }
0x73: {  	[sflag:s29] =	ssyncset.done $0x0  }
0x74: {  	[sflag:s29] =	ssyncadd.s32 $0xFFFFC000  }
0x75: {  	s0 =	simm.s32 @p0 $0x1FC7;
	[bflag:$0x0] =	sbarrier.arrive $0xFFFF  }
0x76: {  	[hbm:s11], [sflag:s0] =	dma.local @p0 [spmem:s15], $0x2800  }
0x77: {  	s0 =	simm.s32 @p0 $0x7  }
0x78: {  	s30 =	sadd.s32 $0x1, s30;
	_ =	swait.ge @p0 [sflag:s0], $0x2800  }
0x79: {  	p1 =	sne.s32 s30, s12;
	[sflag:s0] =	ssyncset.done @p0 $0x0  }
.Ltmp1:
0x7a: {  	[sflag:s0] =	ssyncadd.s32 @p0 $0xFFFFD800;
	s0 =	simm.s32 @!p0 $0x7;
	(pc) =	sbr.rel @p1 .LBB2_1-.Ltmp1, $4  }
0x7b: {  	[hbm:s10], [sflag:s16] =	dma.local @!p0 [spmem:s17], $0x2700  }
0x7c: {  	_ =	swait.ge @!p0 [sflag:s0], $0x2700  }
0x7d: {  	[sflag:s0] =	ssyncset.done @!p0 $0x0  }
0x7e: {  	[sflag:s0] =	ssyncadd.s32 @!p0 $0xFFFFD900  }
0x7f: {  	_ =	sfence.sel $0x180000  }
0x80: {  	[bflag:$0x0] =	sbarrier.arrive $0xFFFF  }
0x81: {  	_ =	strace $0x9000004D  }
0x82: {  	s0 =	stileid.u32;
	[bflag:$0x2] =	sbarrier.arrive $0xFFFF  }
0x83: {  	p0 =	sne.s32 s0, $0x0;
	s0 =	rddreg [dreg:$0x2]  }
0x84: {  	s0 =	sadd.s32 @!p0 $0x100000, s0  }
0x85: {  	[sflag:s0] =	ssyncadd.tile.s32 @!p0 $0x1;
	_ =	shalt  }
.Lfunc_end2:
_tile_overlayer_lowered:
.L_overlay_start_2:
0x86: {  	(tag) =	ssettag $0x2  }
0x87: {  	s0 =	rddreg [dreg:$0x0];
	s2 =	stileid.u32  }
0x88: {  	s1 =	rddreg [dreg:$0x1];
	p0 =	sne.s32 s2, $0x0  }
0x89: {  	s3 =	rddreg [dreg:$0x2];
	[bflag:$0x3] =	sbarrier.arrive $0xFFFF;
	s2 =	simm.s32 @!p0 $0x1C07  }
0x8a: {  	[timem:s3], [sflag:s2] =	dma.local @!p0 [hbm:s0], s1  }
0x8b: {  	s0 =	simm.s32 @!p0 $0x7  }
0x8c: {  	_ =	swait.ge @!p0 [sflag:s0], s1  }
0x8d: {  	s1 =	ssub.s32 @!p0 $0x0, s1;
	[sflag:s0] =	ssyncset.done @!p0 $0x0  }
0x8e: {  	[sflag:s0] =	ssyncadd.s32 @!p0 s1  }
0x8f: {  	[bflag:$0x3] =	sbarrier.arrive $0xFFFF  }
0x90: {  	_ =	shalt  }

// kernel: kernel.9.cloned.1.call-start
scs
__scs_entry_jumppad:
0x0: {  	(pc) =	sbr.rel $0x88, $3  }
0x1: {  	(tag) =	ssettag $0x0;
	lr =	simm.s32 $0x1  }
0x2: {  	[smem:$0x3F99] =	sst lr;
	_ =	strace $0xD0000000  }
0x3: {  	_ = 	snop  }
0x4: {  	_ = 	snop  }
0x5: {  	_ = 	snop  }
0x6: {  	_ = 	snop  }
0x7: {  	_ = 	snop  }
__scs_overlays_trampoline_lowered:
0x8: {  	[smem:$0x3FA8] =	sst s0  }
0x9: {  	[smem:$0x3FA9] =	sst s1  }
0xa: {  	[smem:$0x3FAA] =	sst s2  }
0xb: {  	[smem:$0x3FAB] =	sst s3  }
0xc: {  	[smem:$0x3FAC] =	sst s4  }
0xd: {  	[smem:$0x3FAD] =	sst s5  }
0xe: {  	[smem:$0x3FAE] =	sst s6  }
0xf: {  	[smem:$0x3FAF] =	sst s7  }
0x10: {  	[smem:$0x3FB0] =	sst s8  }
0x11: {  	[smem:$0x3FB1] =	sst s9;
	s0 =	simm.s32 @!p0 $0x0  }
0x12: {  	s1 =	sld [smem:$0x3F97];
	s0 =	simm.s32 @p0 $0x1  }
0x13: {  	[smem:$0x3FB2] =	sst s0;
	s0 =	simm.s32 @!p1 $0x0  }
0x14: {  	s2 =	sld [smem:$0x3F96];
	s0 =	simm.s32 @p1 $0x1  }
0x15: {  	[smem:$0x3FB3] =	sst s0;
	s0 =	simm.s32 @!p2 $0x0  }
0x16: {  	s3 =	sld [smem:$0x3FDB];
	s0 =	simm.s32 @p2 $0x1  }
0x17: {  	s4 =	simm.s32 $0x1BF5;
	[smem:$0x3FB5] =	sst s0  }
0x18: {  	s0 =	sld [smem:$0x3F98];
	_ =	swait.ge [sflag:s4], $0x0  }
0x19: {  	s7 =	sld [smem:$0x3F99]  }
0x1a: {  	s8 =	sadd.s32 $0xFFFFE003, lr  }
0x1b: {  	s9 =	sadd.s32 $0xFFFFFEF7, lr;
	s5 =	simm.s32 $0xFFFFFFFF;
	p2 =	slt.u32 s8, $0xFFFFF086  }
0x1c: {  	p1 =	slt.u32 s9, $0xF7A;
	s5 =	simm.s32 @!p2 $0x0  }
0x1d: {  	s5 =	simm.s32 @p1 $0x1;
	p0 =	seq.s32 s7, s2  }
0x1e: {  	s7 =	smul.u32 @!p0 $0xF7A, s2;
	p2 =	seq.s32 @!p0 s5, $0x0  }
0x1f: {  	s9 =	smul.u32 $0xF7A, s1;
	s8 =	simm.s32 @!p0 $0x1BF5;
	p2 =	por !p2, p0  }
0x20: {  	[sflag:s8] =	ssyncset.s32 @!p0 $0xFFFFF086;
	s6 =	sadd.s32 @!p0 s3, s7;
	s7 =	simm.s32 @!p0 $0x108  }
0x21: {  	s3 =	sadd.s32 s3, s9;
	s6 =	sadd.s32 @!p0 $0x88, s6;
	s7 =	simm.s32 @p2 $0x1082  }
0x22: {  	[simem:s7], [sflag:s8] =	dma.local @!p0 [hbm:s6], $0xF7A  }
0x23: {  	s9 =	sor.u32 $0xD0000000, s2;
	s6 =	simm.s32 $0x108;
	_ =	swait.ge @!p0 [sflag:s8], $0x0  }
0x24: {  	s3 =	sadd.s32 $0x88, s3;
	s6 =	simm.s32 @!p1 $0x1082;
	[sflag:s4] =	ssyncset.s32 $0xFFFFF086  }
0x25: {  	[simem:s6], [sflag:s4] =	dma.local [hbm:s3], $0xF7A  }
0x26: {  	[smem:$0x3F99] =	sst s1;
	(tag) =	ssettag s2;
	_ =	strace s9  }
0x27: {  	s1 =	sld [smem:$0x3FA9]  }
0x28: {  	s2 =	sld [smem:$0x3FAA]  }
0x29: {  	s4 =	sld [smem:$0x3FAC]  }
0x2a: {  	p0 =	seq.s32 s5, $0x0;
	s5 =	sld [smem:$0x3FAD]  }
0x2b: {  	s6 =	sld [smem:$0x3FAE]  }
0x2c: {  	s7 =	sld [smem:$0x3FAF]  }
0x2d: {  	s3 =	simm.s32 $0x108;
	s8 =	sld [smem:$0x3FB0]  }
0x2e: {  	s3 =	simm.s32 @!p0 $0x1082;
	s9 =	sld [smem:$0x3FB1]  }
0x2f: {  	lr =	sadd.s32 s0, s3;
	s0 =	sld [smem:$0x3FA8]  }
0x30: {  	s3 =	sld [smem:$0x3FAB]  }
0x31: {  	[smem:$0x3FB4] =	sst s10  }
0x32: {  	s10 =	sld [smem:$0x3FB2];
	_ =	sdelay $0x3  }
0x33: {  	p0 =	seq.s32 s10, $0x1;
	s10 =	sld [smem:$0x3FB4];
	_ =	sdelay $0x3  }
0x34: {  	[smem:$0x3FB4] =	sst s10  }
0x35: {  	s10 =	sld [smem:$0x3FB3];
	_ =	sdelay $0x3  }
0x36: {  	p1 =	seq.s32 s10, $0x1;
	s10 =	sld [smem:$0x3FB4];
	_ =	sdelay $0x3  }
0x37: {  	[smem:$0x3FB4] =	sst s10  }
0x38: {  	s10 =	sld [smem:$0x3FB5]  }
0x39: {  	_ = 	snop;
	(pc) =	sbr.ind lr, $3  }
0x3a: {  	_ = 	snop  }
0x3b: {  	_ = 	snop  }
0x3c: {  	p2 =	seq.s32 s10, $0x1;
	s10 =	sld [smem:$0x3FB4]  }
0x3d: {  	_ =	shalt  }
0x3e: {  	_ =	shalt  }
0x3f: {  	_ =	shalt  }
0x40: {  	_ =	shalt  }
0x41: {  	_ =	shalt  }
0x42: {  	_ =	shalt  }
0x43: {  	_ =	shalt  }
0x44: {  	_ =	shalt  }
0x45: {  	_ =	shalt  }
0x46: {  	_ =	shalt  }
0x47: {  	_ =	shalt  }
0x48: {  	_ =	shalt  }
0x49: {  	_ =	shalt  }
0x4a: {  	_ =	shalt  }
0x4b: {  	_ =	shalt  }
0x4c: {  	_ =	shalt  }
0x4d: {  	_ =	shalt  }
0x4e: {  	_ =	shalt  }
0x4f: {  	_ =	shalt  }
0x50: {  	_ =	shalt  }
0x51: {  	_ =	shalt  }
0x52: {  	_ =	shalt  }
0x53: {  	_ =	shalt  }
0x54: {  	_ =	shalt  }
0x55: {  	_ =	shalt  }
0x56: {  	_ =	shalt  }
0x57: {  	_ =	shalt  }
0x58: {  	_ =	shalt  }
0x59: {  	_ =	shalt  }
0x5a: {  	_ =	shalt  }
0x5b: {  	_ =	shalt  }
0x5c: {  	_ =	shalt  }
0x5d: {  	_ =	shalt  }
0x5e: {  	_ =	shalt  }
0x5f: {  	_ =	shalt  }
0x60: {  	_ =	shalt  }
0x61: {  	_ =	shalt  }
0x62: {  	_ =	shalt  }
0x63: {  	_ =	shalt  }
0x64: {  	_ =	shalt  }
0x65: {  	_ =	shalt  }
0x66: {  	_ =	shalt  }
0x67: {  	_ =	shalt  }
0x68: {  	_ =	shalt  }
0x69: {  	_ =	shalt  }
0x6a: {  	_ =	shalt  }
0x6b: {  	_ =	shalt  }
0x6c: {  	_ =	shalt  }
0x6d: {  	_ =	shalt  }
0x6e: {  	_ =	shalt  }
0x6f: {  	_ =	shalt  }
0x70: {  	_ =	shalt  }
0x71: {  	_ =	shalt  }
0x72: {  	_ =	shalt  }
0x73: {  	_ =	shalt  }
0x74: {  	_ =	shalt  }
0x75: {  	_ =	shalt  }
0x76: {  	_ =	shalt  }
0x77: {  	_ =	shalt  }
0x78: {  	_ =	shalt  }
0x79: {  	_ =	shalt  }
0x7a: {  	_ =	shalt  }
0x7b: {  	_ =	shalt  }
0x7c: {  	_ =	shalt  }
0x7d: {  	_ =	shalt  }
0x7e: {  	_ =	shalt  }
0x7f: {  	_ =	shalt  }
0x80: {  	_ =	shalt  }
0x81: {  	_ =	shalt  }
0x82: {  	_ =	shalt  }
0x83: {  	_ =	shalt  }
0x84: {  	_ =	shalt  }
0x85: {  	_ =	shalt  }
0x86: {  	_ =	shalt  }
0x87: {  	_ =	shalt  }
.Lfunc_end0:
.L_simem_size_0:
called_computation_lowered:
.L_overlay_start_0:
0x88: {  	s2 =	sld [smem:$0x3FD9]  }
0x89: {  	s3 =	sld [smem:$0x3FFE];
	_ =	sdelay $0x1  }
0x8a: {  	s1 =	srdreg.scid  }
0x8b: {  	s0 =	sand.u32 $0x1, s1  }
0x8c: {  	s16 =	sshll.u32 s0, $0xA;
	s2 =	sadd.s32 s3, s2  }
0x8d: {  	s2 =	sadd.s32 s2, s16  }
0x8e: {  	[smem:$0x3FC0] =	sst s2  }
0x8f: {  	_ = 	snop  }
0x90: {  	(tm) =	ssettm $0x1  }
0x91: {  	s17 =	sld [smem:$0x3FFB];
	_ =	sdelay $0x3  }
0x92: {  	_ =	strace s17  }
0x93: {  	s2 =	sld [smem:$0x3FFC];
	_ =	sdelay $0x3  }
0x94: {  	_ =	strace s2  }
0x95: {  	s2 =	sld [smem:$0x3FFD];
	_ =	sdelay $0x3  }
0x96: {  	_ =	strace s2  }
0x97: {  	_ =	strace $0x8FFFFFFF  }
0x98: {  	s18 =	sld [smem:$0x3FDB];
	_ =	sdelay $0x1  }
0x99: {  	s19 =	simm.s32 $_scs_section_size  }
0x9a: {  	s4 =	simm.s32 $_size__tile_overlayer_lowered;
	s5 =	simm.s32 $_tile_overlayer_lowered  }
0x9b: {  	s22 =	simm.s32 $0x1BFF;
	s21 =	sshll.u32 s5, $0x1;
	s2 =	sadd.s32 s19, s18  }
0x9c: {  	s6 =	simm.s32 $0x0;
	s20 =	sshll.u32 s4, $0x1;
	s4 =	sadd.s32 s21, s2  }
0x9d: {  	[timem:s6], [sflag:s22] =	dma.local [hbm:s4], s20  }
0x9e: {  	_ =	swait.ge [sflag:s22], s20  }
0x9f: {  	s3 =	ssub.s32 $0x0, s20;
	[sflag:s22] =	ssyncset.done $0x0  }
0xa0: {  	[sflag:s22] =	ssyncadd.s32 s3;
	_ =	sdelay $0x1  }
0xa1: {  	s23 =	simm.s32 $0x1B8B  }
0xa2: {  	_ =	swait.ge [sflag:s23], $0x1  }
0xa3: {  	[sflag:s23] =	ssyncset.done $0x0  }
0xa4: {  	s25 =	simm.s32 $0x1B8E;
	s24 =	sld [smem:$0x3FFE];
	[sflag:s23] =	ssyncadd.s32 $0xFFFFFFFF  }
0xa5: {  	s26 =	simm.s32 $execute0_lowered;
	[smem:$0x3FD2] =	sst s25  }
0xa6: {  	s4 =	sshll.u32 s26, $0x1;
	_ =	strace $0x80000046;
	[dreg:$0x1] =	wrdreg $0xFFFFFFFF  }
0xa7: {  	s28 =	simm.s32 $_size_execute0_lowered;
	s2 =	sadd.s32 s2, s4;
	[dreg:$0x0] =	wrdreg $0x0  }
0xa8: {  	s4 =	sshll.u32 s28, $0x1;
	[dreg:$0x2] =	wrdreg s2  }
0xa9: {  	[dreg:$0x3] =	wrdreg s4  }
0xaa: {  	[dreg:$0x4] =	wrdreg $0xC0  }
0xab: {  	_ =	task [dreg:s6], $0x5FFFF  }
0xac: {  	[dreg:$0x1] =	wrdreg $0xFFFFFFFF  }
0xad: {  	[dreg:$0x0] =	wrdreg $0x60  }
0xae: {  	[dreg:$0x2] =	wrdreg s24  }
0xaf: {  	[dreg:$0x3] =	wrdreg $0x41000  }
0xb0: {  	[dreg:$0x4] =	wrdreg $0x9  }
0xb1: {  	_ =	task.clear_ibuf [dreg:s6], $0x5FFFF;
	_ =	strace $0x90000046  }
0xb2: {  	s29 =	simm.s32 $0x9;
	_ =	strace $0x80000048  }
0xb3: {  	_ =	swait.ge [sflag:s29], $0x1  }
0xb4: {  	[sflag:s29] =	ssyncadd.s32 $0xFFFFFFFF  }
0xb5: {  	_ =	strace $0x90000048  }
0xb6: {  	_ =	sfence  }
0xb7: {  	s30 =	sld [smem:$0x0];
	_ =	sdelay $0x2  }
0xb8: {  	s31 =	sshll.u32 s1, $0xD;
	s1 =	sshrl.u32 s1, $0x2  }
0xb9: {  	s3 =	sand.u32 $0x4000, s31;
	s1 =	sadd.s32 s1, s30  }
0xba: {  	s0 =	sor.u32 s3, s0;
	s1 =	sshll.u32 s1, $0x11  }
0xbb: {  	s0 =	sor.u32 s1, s0  }
0xbc: {  	s0 =	sadd.s32 $0x8F2B, s0  }
0xbd: {  	[sflag:s0] =	ssyncadd.remote.s32 $0x1  }
0xbe: {  	_ =	sfence.sel $0xFFFF  }
0xbf: {  	[dreg:$0x0] =	wrdreg $0xFFFFFFFF;
	(pc) =	sbr.abs _section_cstart, $3  }
0xc0: {  	[dreg:$0x1] =	wrdreg $0xFFFFFFFF  }
0xc1: {  	_ =	task.clear_ibuf [dreg:s6], $0x2FFFF;
	_ =	strace $0x9FFFFFFF  }
0xc2: {  	(tm) =	ssettm $0x7FFFFFFF  }
0xc3: {  	_ =	shalt  }
tec
execute0_lowered:
.L_overlay_start_1:
0x0: {  	(tag) =	ssettag $0x1  }
0x1: {  	s6 =	rddreg [dreg:$0x0]  }
0x2: {  	s2 =	rddreg [dreg:$0x1]  }
0x3: {  	s0 =	rddreg [dreg:$0x2];
	s3 =	simm.s32 $0x0  }
0x4: {  	s1 =	stileid.u32;
	s5 =	srdreg.scid;
	s18 =	simm.s32 $0x4000  }
0x5: {  	s19 =	simm.s32 $0x4080;
	s20 =	simm.s32 $0x1;
	s21 =	simm.s32 $0x80  }
0x6: {  	s22 =	simm.s32 $0x3;
	s23 =	simm.s32 $0x2;
	s24 =	simm.s32 $0x4  }
0x7: {  	[smem:$0x7FF] =	sst s3;
	s4 =	smul.u32 $0x2700, s1;
	s13 =	sadd.s32 $0x2600, s6  }
0x8: {  	s8 =	sand.u32 $0x1, s5;
	s9 =	smul.u32 $0x4E000, s1;
	s10 =	sshll.u32 s1, $0x1  }
0x9: {  	s11 =	sadd.s32 $0x2F000, s6;
	s14 =	sadd.s32 $0x124800, s2;
	s30 =	smul.u32 $0x13800, s1  }
0xa: {  	s15 =	smul.u32 $0x2800, s1;
	p0 =	seq.s32 s1, $0xF;
	_ =	strace $0x80000047  }
0xb: {  	s5 =	ssub.s32 $0x2, s8;
	s10 =	sor.u32 s8, s10;
	s28 =	smul.u32 $0x138800, s8  }
0xc: {  	s17 =	smul.u32 $0x1400, s8;
	s14 =	sshrl.u32 @p0 s14, $0x3;
	s7 =	sadd.s32 s4, s6  }
0xd: {  	s4 =	sadd.s32 $0x7600, s6;
	s12 =	sshrl.u32 s5, $0x1;
	s25 =	sshrl.u32 s9, $0x2  }
0xe: {  	s26 =	smul.u32 $0x1400, s10;
	s6 =	sadd.s32 $0x2C700, s6;
	s12 =	ssub.s32 s5, s12  }
0xf: {  	s16 =	sadd.s32 s25, s2;
	s5 =	sadd.s32 $0x7E00, s7;
	s9 =	sadd.s32 s30, s28  }
0x10: {  	s10 =	sshrl.u32 s28, $0x3;
	s15 =	sadd.s32 s17, s15;
	s17 =	simm.s32 $0x5  }
0x11: {  	s25 =	simm.s32 $0x0;
	s29 =	sshrl.u32 s26, $0x3;
	s9 =	sshrl.u32 s9, $0x3  }
0x12: {  	s10 =	sadd.s32 s11, s10;
	s31 =	sor.u32 $0x180, s15;
	s15 =	sor.u32 $0x100, s15  }
0x13: {  	s16 =	sshrl.u32 @!p0 s16, $0x3;
	s7 =	sadd.s32 s13, s29;
	s9 =	sadd.s32 s11, s9  }
0x14: {  	s11 =	smax.u32 s12, $0x1;
	s12 =	sshrl.u32 s31, $0x3;
	s15 =	sshrl.u32 s15, $0x3  }
0x15: {  	s12 =	sadd.s32 s12, s13;
	s13 =	sadd.s32 s15, s13;
	s15 =	sshll.u32 @!p0 s1, $0x6  }
0x16: {  	s10 =	sadd.s32 $0x24900, s10;
	s8 =	sadd.s32 $0x10, s7;
	s15 =	sor.u32 @!p0 $0x1C05, s15  }
.LBB2_1:
0x17: {  	s26 =	simm.s32 @p0 $0x1FC5  }
0x18: {  	[spmem:s14], [sflag:s26] =	dma.local @p0 [hbm:s6], $0x2800  }
0x19: {  	s26 =	simm.s32 @p0 $0x5  }
0x1a: {  	_ =	swait.ge @p0 [sflag:s26], $0x2800  }
0x1b: {  	[sflag:s26] =	ssyncset.done @p0 $0x0  }
0x1c: {  	[sflag:s26] =	ssyncadd.s32 @p0 $0xFFFFD800;
	s26 =	simm.s32 @!p0 $0x5  }
0x1d: {  	[spmem:s16], [sflag:s15] =	dma.local @!p0 [hbm:s5], $0x2700  }
0x1e: {  	_ =	swait.ge @!p0 [sflag:s26], $0x2700  }
0x1f: {  	[sflag:s26] =	ssyncset.done @!p0 $0x0  }
0x20: {  	[sflag:s26] =	ssyncadd.s32 @!p0 $0xFFFFD900  }
0x21: {  	[tilespmem:s3], [sflag:$0x5] =	stream.linear.gather [hbm4b:s4+s3], $0x4000, $0x38;
	[tilespmem:$0x6818] =	vst v63  }
0x22: {  	_ =	swait.ge [sflag:s17], $0x4000  }
0x23: {  	[sflag:s17] =	ssyncset.done $0x0  }
0x24: {  	[sflag:s17] =	ssyncadd.s32 $0xFFFFC000  }
0x25: {  	[bflag:$0x0] =	sbarrier.arrive $0xFFFF  }
0x26: {  	[tilespmem:s18], [sflag:$0x1] =	stream.linear.gather [hbm4b:s7+s3], $0x80, $0x38;
	[tilespmem:$0x6818] =	vst v63  }
0x27: {  	_ = 	snop  }
0x28: {  	[tilespmem:s19], [sflag:$0x2] =	stream.linear.gather [hbm4b:s8+s3], $0x80, $0x38;
	[tilespmem:$0x6818] =	vst v63  }
0x29: {  	_ =	swait.ge [sflag:s20], $0x80  }
0x2a: {  	[sflag:s20] =	ssyncset.done $0x0  }
0x2b: {  	[sflag:s20] =	ssyncadd.s32 $0xFFFFFF80  }
0x2c: {  	[spmem:s2] =	stream.indirect.scatter.add.f32 [tilespmem:s3], [sflag:$0x3], $0x10, s18, s21, $0xb8;
	[tilespmem:$0x6818] =	vst v63  }
0x2d: {  	_ =	swait.ge [sflag:s22], $0x800  }
0x2e: {  	[sflag:s22] =	ssyncset.done $0x0  }
0x2f: {  	s31 =	sadd.s32 $0x0, s13;
	[sflag:s22] =	ssyncadd.s32 $0xFFFFF800  }
0x30: {  	[tilespmem:s18], [sflag:$0x1] =	stream.linear.gather [hbm4b:s31+s3], $0x80, $0x38;
	[tilespmem:$0x6818] =	vst v63  }
0x31: {  	_ =	swait.ge [sflag:s23], $0x80  }
0x32: {  	[sflag:s23] =	ssyncset.done $0x0  }
0x33: {  	[sflag:s23] =	ssyncadd.s32 $0xFFFFFF80  }
0x34: {  	[spmem:s2] =	stream.indirect.scatter.add.f32 [tilespmem:s3], [sflag:$0x4], $0x10, s19, s21, $0xb8;
	[tilespmem:$0x6818] =	vst v63  }
0x35: {  	_ =	swait.ge [sflag:s24], $0x800  }
0x36: {  	[sflag:s24] =	ssyncset.done $0x0  }
0x37: {  	s28 =	sadd.s32 $0x0, s12;
	s26 =	simm.s32 $0x20;
	[sflag:s24] =	ssyncadd.s32 $0xFFFFF800  }
.LBB2_2:
0x38: {  	[tilespmem:s19], [sflag:$0x2] =	stream.linear.gather [hbm4b:s28+s3], $0x80, $0x38;
	[tilespmem:$0x6818] =	vst v63  }
0x39: {  	s28 =	smov.u32 s26  }
0x3a: {  	p1 =	sne.s32 s26, $0x240;
	s26 =	sadd.s32 $0x20, s26;
	_ =	swait.ge [sflag:s20], $0x80  }
0x3b: {  	[sflag:s20] =	ssyncset.done $0x0  }
0x3c: {  	[sflag:s20] =	ssyncadd.s32 $0xFFFFFF80  }
0x3d: {  	[spmem:s2] =	stream.indirect.scatter.add.f32 [tilespmem:s3], [sflag:$0x3], $0x10, s18, s21, $0xb8;
	[tilespmem:$0x6818] =	vst v63  }
0x3e: {  	_ =	swait.ge [sflag:s22], $0x800  }
0x3f: {  	[sflag:s22] =	ssyncset.done $0x0  }
0x40: {  	s29 =	sadd.s32 s28, s13;
	[sflag:s22] =	ssyncadd.s32 $0xFFFFF800  }
0x41: {  	[tilespmem:s18], [sflag:$0x1] =	stream.linear.gather [hbm4b:s29+s3], $0x80, $0x38;
	[tilespmem:$0x6818] =	vst v63  }
0x42: {  	_ =	swait.ge [sflag:s23], $0x80  }
0x43: {  	[sflag:s23] =	ssyncset.done $0x0  }
.Ltmp0:
0x44: {  	[sflag:s23] =	ssyncadd.s32 $0xFFFFFF80;
	(pc) =	sbr.rel @p1 .LBB2_2-.Ltmp0, $4  }
0x45: {  	[spmem:s2] =	stream.indirect.scatter.add.f32 [tilespmem:s3], [sflag:$0x4], $0x10, s19, s21, $0xb8;
	[tilespmem:$0x6818] =	vst v63  }
0x46: {  	_ =	swait.ge [sflag:s24], $0x800  }
0x47: {  	[sflag:s24] =	ssyncset.done $0x0  }
0x48: {  	s28 =	sadd.s32 s28, s12;
	[sflag:s24] =	ssyncadd.s32 $0xFFFFF800  }
0x49: {  	[tilespmem:s19], [sflag:$0x2] =	stream.linear.gather [hbm4b:s28+s3], $0x80, $0x38;
	[tilespmem:$0x6818] =	vst v63  }
0x4a: {  	_ =	swait.ge [sflag:s20], $0x80  }
0x4b: {  	[sflag:s20] =	ssyncset.done $0x0  }
0x4c: {  	[sflag:s20] =	ssyncadd.s32 $0xFFFFFF80  }
0x4d: {  	[spmem:s2] =	stream.indirect.scatter.add.f32 [tilespmem:s3], [sflag:$0x3], $0x10, s18, s21, $0xb8;
	[tilespmem:$0x6818] =	vst v63  }
0x4e: {  	_ =	swait.ge [sflag:s22], $0x800  }
0x4f: {  	[sflag:s22] =	ssyncset.done $0x0  }
0x50: {  	[sflag:s22] =	ssyncadd.s32 $0xFFFFF800  }
0x51: {  	_ =	swait.ge [sflag:s23], $0x80  }
0x52: {  	[sflag:s23] =	ssyncset.done $0x0  }
0x53: {  	[sflag:s23] =	ssyncadd.s32 $0xFFFFFF80  }
0x54: {  	[spmem:s2] =	stream.indirect.scatter.add.f32 [tilespmem:s3], [sflag:$0x4], $0x10, s19, s21, $0xb8;
	[tilespmem:$0x6818] =	vst v63  }
0x55: {  	_ =	swait.ge [sflag:s24], $0x800  }
0x56: {  	[sflag:s24] =	ssyncset.done $0x0  }
0x57: {  	[sflag:s24] =	ssyncadd.s32 $0xFFFFF800  }
0x58: {  	s26 =	simm.s32 @p0 $0x1FC5;
	[bflag:$0x0] =	sbarrier.arrive $0xFFFF  }
0x59: {  	[hbm:s10], [sflag:s26] =	dma.local @p0 [spmem:s14], $0x2800  }
0x5a: {  	s26 =	simm.s32 @p0 $0x5  }
0x5b: {  	s25 =	sadd.s32 $0x1, s25;
	_ =	swait.ge @p0 [sflag:s26], $0x2800  }
0x5c: {  	p1 =	sne.s32 s25, s11;
	[sflag:s26] =	ssyncset.done @p0 $0x0  }
.Ltmp1:
0x5d: {  	[sflag:s26] =	ssyncadd.s32 @p0 $0xFFFFD800;
	s26 =	simm.s32 @!p0 $0x5;
	(pc) =	sbr.rel @p1 .LBB2_1-.Ltmp1, $4  }
0x5e: {  	[hbm:s9], [sflag:s15] =	dma.local @!p0 [spmem:s16], $0x2700  }
0x5f: {  	_ =	swait.ge @!p0 [sflag:s26], $0x2700  }
0x60: {  	[sflag:s26] =	ssyncset.done @!p0 $0x0  }
0x61: {  	[sflag:s26] =	ssyncadd.s32 @!p0 $0xFFFFD900  }
0x62: {  	_ =	sfence.sel $0x180000  }
0x63: {  	[bflag:$0x0] =	sbarrier.arrive $0xFFFF  }
0x64: {  	p0 =	sne.s32 s1, $0x0;
	_ =	strace $0x90000047  }
0x65: {  	s0 =	sadd.s32 @!p0 $0x100000, s0;
	[bflag:$0x2] =	sbarrier.arrive $0xFFFF  }
0x66: {  	[sflag:s0] =	ssyncadd.tile.s32 @!p0 $0x1;
	_ =	shalt  }
.Lfunc_end2:
_tile_overlayer_lowered:
.L_overlay_start_2:
0x67: {  	(tag) =	ssettag $0x2  }
0x68: {  	s0 =	rddreg [dreg:$0x0];
	s2 =	stileid.u32  }
0x69: {  	s1 =	rddreg [dreg:$0x1];
	p0 =	sne.s32 s2, $0x0  }
0x6a: {  	s3 =	rddreg [dreg:$0x2];
	[bflag:$0x3] =	sbarrier.arrive $0xFFFF;
	s2 =	simm.s32 @!p0 $0x1C05  }
0x6b: {  	[timem:s3], [sflag:s2] =	dma.local @!p0 [hbm:s0], s1  }
0x6c: {  	s0 =	simm.s32 @!p0 $0x5  }
0x6d: {  	_ =	swait.ge @!p0 [sflag:s0], s1  }
0x6e: {  	s1 =	ssub.s32 @!p0 $0x0, s1;
	[sflag:s0] =	ssyncset.done @!p0 $0x0  }
0x6f: {  	[sflag:s0] =	ssyncadd.s32 @!p0 s1  }
0x70: {  	[bflag:$0x3] =	sbarrier.arrive $0xFFFF  }
0x71: {  	_ =	shalt  }

</sc_bundles>
